<compile_context>
chip_gen: v7x
topology: tpu7x:2x2x1
jax: 0.10.2.dev20260603
libtpu: 0.0.44.dev20260713+nightly
codegen_flags: <defaults>
</compile_context>

<pallas_src>
import jax
import jax.numpy as jnp
from jax import lax
from jax.experimental import pallas as pl
from jax.experimental.pallas import tpu as pltpu
from jax.experimental.pallas import tpu_sc as plsc

_B, _C = 4096, 1000
_G = 100
_N = 10
_BB = 512
_TC_ROWS = 3584
_SC_ROWS = _B - _TC_ROWS
_NC, _NS = 2, 16
_NW = _NC * _NS
_RW = _SC_ROWS // _NW
_CH = 16
_NCH = _RW // _CH


def _sel(rows, cols, div):
    r = jax.lax.broadcasted_iota(jnp.int32, (rows, cols), 0)
    c = jax.lax.broadcasted_iota(jnp.int32, (rows, cols), 1)
    return jnp.where(r // div == c, 1.0, 0.0).astype(jnp.float32)


def _bcast(rows, cols, div):
    r = jax.lax.broadcasted_iota(jnp.int32, (rows, cols), 0)
    c = jax.lax.broadcasted_iota(jnp.int32, (rows, cols), 1)
    return jnp.where(c // div == r, 1.0, 0.0).astype(jnp.float32)


def _tc_body(x_ref, o_ref):
    x = x_ref[...]
    e2 = jnp.exp(x)
    s10 = _sel(_C, _G, 10)
    s100 = _sel(_G, _N, 10)
    den2 = jnp.dot(e2, s10, preferred_element_type=jnp.float32)
    m2 = jnp.dot(x, s10, preferred_element_type=jnp.float32) * 0.1
    m2s = m2 - jnp.max(m2, axis=1, keepdims=True)
    e1 = jnp.exp(m2s)
    den1 = jnp.dot(e1, s100, preferred_element_type=jnp.float32)
    m1 = jnp.dot(m2s, s100, preferred_element_type=jnp.float32) * 0.1
    m1s = m1 - jnp.max(m1, axis=1, keepdims=True)
    em1 = jnp.exp(m1s)
    p0 = em1 / jnp.sum(em1, axis=1, keepdims=True)
    r10 = _bcast(_N, _G, 10)
    f = jnp.dot(p0 / den1, r10, preferred_element_type=jnp.float32)
    scale_g = e1 * f / den2
    r100 = _bcast(_G, _C, 10)
    h = jnp.dot(scale_g, r100, preferred_element_type=jnp.float32)
    o_ref[...] = e2 * h


def _tc_part(outputs):
    return pl.pallas_call(
        _tc_body,
        grid=(_TC_ROWS // _BB,),
        in_specs=[pl.BlockSpec((_BB, _C), lambda i: (i, 0))],
        out_specs=pl.BlockSpec((_BB, _C), lambda i: (i, 0)),
        out_shape=jax.ShapeDtypeStruct((_TC_ROWS, _C), outputs.dtype),
    )(outputs)


def _sc_body(x_hbm, out_hbm, x_v, e_v, out_v, den2_v, e1_v, den1_v, e0_v):
    wid = lax.axis_index("s") * _NC + lax.axis_index("c")
    riota = lax.iota(jnp.int32, 16)
    zero = jnp.zeros((16,), jnp.float32)

    def g16(ref, col):
        return plsc.load_gather(ref, [riota, jnp.full((16,), col, jnp.int32)])

    def s16(ref, col, val):
        plsc.store_scatter(ref, [riota, jnp.full((16,), col, jnp.int32)], val)

    def chunk_body(ch, _carry):
        row0 = _TC_ROWS + wid * _RW + ch * _CH
        pltpu.sync_copy(x_hbm.at[pl.ds(row0, _CH), :], x_v)

        def node_body(j, n0den):
            def group_body(k, carry):
                n1sum, n1den = carry
                g = j * 10 + k
                xsum = zero
                esum = zero
                for m in range(10):
                    c = g * 10 + m
                    v = g16(x_v, c)
                    e = jnp.exp(v)
                    s16(e_v, c, e)
                    xsum = xsum + v
                    esum = esum + e
                m2 = xsum * 0.1
                e1 = jnp.exp(m2)
                s16(den2_v, g, esum)
                s16(e1_v, g, e1)
                return (n1sum + m2, n1den + e1)

            n1sum, n1den = lax.fori_loop(0, 10, group_body, (zero, zero))
            m1 = n1sum * 0.1
            e0 = jnp.exp(m1)
            s16(den1_v, j, n1den)
            s16(e0_v, j, e0)
            return n0den + e0

        n0den = lax.fori_loop(0, 10, node_body, zero)

        def node2(j, _):
            f = g16(e0_v, j) / (n0den * g16(den1_v, j))

            def group2(k, __):
                g = j * 10 + k
                h = g16(e1_v, g) * f / g16(den2_v, g)
                for m in range(10):
                    c = g * 10 + m
                    s16(out_v, c, g16(e_v, c) * h)
                return 0

            return lax.fori_loop(0, 10, group2, 0)

        lax.fori_loop(0, 10, node2, 0)
        pltpu.sync_copy(out_v, out_hbm.at[pl.ds(row0 - _TC_ROWS, _CH), :])
        return 0

    lax.fori_loop(0, _NCH, chunk_body, 0)


def _sc_part(outputs):
    call = pl.kernel(
        _sc_body,
        out_type=jax.ShapeDtypeStruct((_SC_ROWS, _C), jnp.float32),
        mesh=plsc.VectorSubcoreMesh(
            core_axis_name="c", subcore_axis_name="s",
            num_cores=_NC, num_subcores=_NS,
        ),
        compiler_params=pltpu.CompilerParams(
            use_tc_tiling_on_sc=False, needs_layout_passes=False,
        ),
        scratch_types=[
            pltpu.VMEM((_CH, _C), jnp.float32),
            pltpu.VMEM((_CH, _C), jnp.float32),
            pltpu.VMEM((_CH, _C), jnp.float32),
            pltpu.VMEM((_CH, 100), jnp.float32),
            pltpu.VMEM((_CH, 100), jnp.float32),
            pltpu.VMEM((_CH, 16), jnp.float32),
            pltpu.VMEM((_CH, 16), jnp.float32),
        ],
    )
    return call(outputs)


def kernel(outputs):
    tc_out = _tc_part(outputs)
    sc_out = _sc_part(outputs)
    return jnp.concatenate([tc_out, sc_out], axis=0)

# --- scband reference (transcript-rebuilt; emitter-appended) ---
"""Pipeline reference for scband-soft-embedded-decision-rules-56023553409032 (READ-ONLY COPY).

The authoritative reference and input builder live on the scoring server;
editing this copy changes nothing except your own understanding.
"""

import jax, jax.numpy as jnp
import numpy as np

NUM_CLASSES = 1000
BATCH = 4096
BRANCHING = 10


def _build_tree(num_classes, branching):
    # Deterministic balanced tree over leaf class indices. Each internal node is
    # represented by its child_index_to_class_index mapping: a list (one entry per
    # child) of np arrays of original class indices under that child.
    nodes = []

    def _split(idxs):
        if len(idxs) <= 1:
            return
        n_children = min(branching, len(idxs))
        chunks = [np.asarray(c) for c in np.array_split(idxs, n_children)]
        nodes.append(chunks)
        for c in chunks:
            if len(c) > 1:
                _split(c)

    _split(np.arange(num_classes))
    return nodes


def setup_inputs(seed: int = 0) -> dict:
    key = jax.random.key(seed)
    outputs = jax.random.normal(key, (BATCH, NUM_CLASSES), dtype=jnp.float32)
    return {"outputs": outputs}


def reference(outputs):
    # SoftEmbeddedDecisionRules.forward:
    #   1) get_all_node_outputs: per internal node, node_logits[:, child] =
    #      mean over outputs columns mapped to that child; probs = softmax.
    #   2) traverse_tree: class_probs starts at ones; for every node,
    #      class_probs[:, old_indices] *= probs[:, new_indices]
    #      (old_indices = all leaf classes under node, new_indices = owning child).
    nodes = _build_tree(NUM_CLASSES, BRANCHING)
    class_probs = jnp.ones((outputs.shape[0], NUM_CLASSES), dtype=outputs.dtype)
    for children in nodes:
        # get_node_logits: stack of per-child means over gathered columns
        node_logits = jnp.stack(
            [jnp.take(outputs, jnp.asarray(idx), axis=1).mean(axis=1) for idx in children],
            axis=1,
        )
        probs = jax.nn.softmax(node_logits, axis=1)
        old_indices = np.concatenate(children)
        new_indices = np.concatenate(
            [np.full(len(c), i, dtype=np.int64) for i, c in enumerate(children)]
        )
        # all old_indices are unique within a node (disjoint partition), so the
        # scatter-multiply is well-defined, matching the torch in-place *=
        gathered = jnp.take(probs, jnp.asarray(new_indices), axis=1)
        class_probs = class_probs.at[:, jnp.asarray(old_indices)].multiply(gathered)
    return class_probs

if __name__ == "__main__":
    import jax
    _d = setup_inputs()
    print(jax.jit(kernel)(*tuple(_d.values())))

</pallas_src>

<mosaic_0001>
#map = affine_map<(d0, d1) -> (0, 0)>
module attributes {stable_mosaic.version = 14 : i64} {
  func.func @_sc_body(%arg0: i32, %arg1: i32, %arg2: memref<4096x1000xf32, #tpu.memory_space<hbm>>, %arg3: memref<512x1000xf32, #tpu.memory_space<hbm>>, %arg4: memref<16x1000xf32, #tpu.memory_space<vmem>>, %arg5: memref<16x1000xf32, #tpu.memory_space<vmem>>, %arg6: memref<16x1000xf32, #tpu.memory_space<vmem>>, %arg7: memref<16x100xf32, #tpu.memory_space<vmem>>, %arg8: memref<16x100xf32, #tpu.memory_space<vmem>>, %arg9: memref<16x16xf32, #tpu.memory_space<vmem>>, %arg10: memref<16x16xf32, #tpu.memory_space<vmem>>) attributes {dimension_semantics = [#tpu.dimension_semantics<core_parallel>, #tpu.dimension_semantics<subcore_parallel>], iteration_bounds = array<i64: 2, 16>, scalar_prefetch = 0 : i64, scratch_operands = 7 : i64, tpu.core_type = #tpu.core_type<sc_vector_subcore>, window_params = [{transform_indices = #map}, {transform_indices = #map}]} {
    %mul3A = arith.constant 2 : i32
    %mul3A_0 = arith.muli %arg1, %mul3A : i32
    %add3A = arith.addi %mul3A_0, %arg0 : i32
    %iota3A = tpu.iota {dimensions = array<i32: 0>} : vector<16xi32>
    %broadcast_in_dim3A = arith.constant 0.000000e+00 : f32
    %broadcast_in_dim3A_1 = vector.broadcast %broadcast_in_dim3A : f32 to vector<16xf32>
    %scan3A = arith.constant 0 : i32
    %scan3A_2 = arith.constant 0 : i32
    %mul3A_3 = arith.constant 16 : i32
    %mul3A_4 = arith.muli %add3A, %mul3A_3 : i32
    %add3A_5 = arith.constant 3584 : i32
    %add3A_6 = arith.addi %add3A_5, %mul3A_4 : i32
    %mul3A_7 = arith.constant 16 : i32
    %mul3A_8 = arith.muli %scan3A_2, %mul3A_7 : i32
    %add3A_9 = arith.addi %add3A_6, %mul3A_8 : i32
    "tpu.region"() ({
      %run_scoped3A = tpu.sem_alloc : memref<!tpu.dma_semaphore, #tpu.memory_space<semaphore_mem>>
      %dma_start3A = arith.constant 0 : i32
      %dma_start3A_26 = tpu.memref_slice %arg2[%add3A_9, %dma_start3A] : memref<4096x1000xf32, #tpu.memory_space<hbm>> -> memref<16x1000xf32, #tpu.memory_space<hbm>>
      %dma_start3A_27 = arith.constant 0 : i32
      %dma_start3A_28 = tpu.memref_slice %arg2[%add3A_9, %dma_start3A_27] : memref<4096x1000xf32, #tpu.memory_space<hbm>> -> memref<16x1000xf32, #tpu.memory_space<hbm>>
      tpu.enqueue_dma source(%dma_start3A_28 : memref<16x1000xf32, #tpu.memory_space<hbm>>) target(%arg4 : memref<16x1000xf32, #tpu.memory_space<vmem>>) target_semaphore(%run_scoped3A : memref<!tpu.dma_semaphore, #tpu.memory_space<semaphore_mem>>)
      %dma_wait3A = arith.constant 0 : i32
      %dma_wait3A_29 = tpu.memref_slice %arg2[%add3A_9, %dma_wait3A] : memref<4096x1000xf32, #tpu.memory_space<hbm>> -> memref<16x1000xf32, #tpu.memory_space<hbm>>
      %dma_wait3A_30 = arith.constant 0 : i32
      %dma_wait3A_31 = tpu.memref_slice %arg2[%add3A_9, %dma_wait3A_30] : memref<4096x1000xf32, #tpu.memory_space<hbm>> -> memref<16x1000xf32, #tpu.memory_space<hbm>>
      tpu.wait_dma2 semaphore(%run_scoped3A : memref<!tpu.dma_semaphore, #tpu.memory_space<semaphore_mem>>) src(%dma_wait3A_31 : memref<16x1000xf32, #tpu.memory_space<hbm>>) dst(%arg4 : memref<16x1000xf32, #tpu.memory_space<vmem>>)
      tpu.yield
    }) : () -> ()
    %scan3A_10 = arith.constant 0 : i32
    %scan3A_11 = arith.constant 10 : i32
    %scan3A_12 = arith.addi %scan3A_10, %scan3A_11 : i32
    %scan3A_13 = arith.constant 1 : i32
    %scan3A_14 = scf.for %scan3A_26 = %scan3A_10 to %scan3A_12 step %scan3A_13 iter_args(%scan3A_27 = %broadcast_in_dim3A_1) -> (vector<16xf32>)  : i32 {
      %scan3A_28 = arith.constant 0 : i32
      %scan3A_29 = arith.constant 10 : i32
      %scan3A_30 = arith.addi %scan3A_28, %scan3A_29 : i32
      %scan3A_31 = arith.constant 1 : i32
      %scan3A_32:2 = scf.for %scan3A_40 = %scan3A_28 to %scan3A_30 step %scan3A_31 iter_args(%scan3A_41 = %broadcast_in_dim3A_1, %scan3A_42 = %broadcast_in_dim3A_1) -> (vector<16xf32>, vector<16xf32>)  : i32 {
        %mul3A_43 = arith.constant 10 : i32
        %mul3A_44 = arith.muli %scan3A_26, %mul3A_43 : i32
        %add3A_45 = arith.addi %mul3A_44, %scan3A_40 : i32
        %mul3A_46 = arith.constant 10 : i32
        %mul3A_47 = arith.muli %add3A_45, %mul3A_46 : i32
        %add3A_48 = arith.constant 0 : i32
        %add3A_49 = arith.addi %mul3A_47, %add3A_48 : i32
        %broadcast_in_dim3A_50 = vector.broadcast %add3A_49 : i32 to vector<16xi32>
        %gather3A = tpu.vector_load_idx %arg4[%iota3A, %broadcast_in_dim3A_50] : memref<16x1000xf32, #tpu.memory_space<vmem>>[vector<16xi32>, vector<16xi32>], vector<16xf32>,
        %exp3A_51 = math.exp %gather3A : vector<16xf32>
        %broadcast_in_dim3A_52 = vector.broadcast %add3A_49 : i32 to vector<16xi32>
        tpu.vector_store_idx %arg5[%iota3A, %broadcast_in_dim3A_52], %exp3A_51 : memref<16x1000xf32, #tpu.memory_space<vmem>>[vector<16xi32>, vector<16xi32>], vector<16xf32>,
        %add3A_53 = arith.addf %broadcast_in_dim3A_1, %gather3A : vector<16xf32>
        %add3A_54 = arith.addf %broadcast_in_dim3A_1, %exp3A_51 : vector<16xf32>
        %mul3A_55 = arith.constant 10 : i32
        %mul3A_56 = arith.muli %add3A_45, %mul3A_55 : i32
        %add3A_57 = arith.constant 1 : i32
        %add3A_58 = arith.addi %mul3A_56, %add3A_57 : i32
        %broadcast_in_dim3A_59 = vector.broadcast %add3A_58 : i32 to vector<16xi32>
        %gather3A_60 = tpu.vector_load_idx %arg4[%iota3A, %broadcast_in_dim3A_59] : memref<16x1000xf32, #tpu.memory_space<vmem>>[vector<16xi32>, vector<16xi32>], vector<16xf32>,
        %exp3A_61 = math.exp %gather3A_60 : vector<16xf32>
        %broadcast_in_dim3A_62 = vector.broadcast %add3A_58 : i32 to vector<16xi32>
        tpu.vector_store_idx %arg5[%iota3A, %broadcast_in_dim3A_62], %exp3A_61 : memref<16x1000xf32, #tpu.memory_space<vmem>>[vector<16xi32>, vector<16xi32>], vector<16xf32>,
        %add3A_63 = arith.addf %add3A_53, %gather3A_60 : vector<16xf32>
        %add3A_64 = arith.addf %add3A_54, %exp3A_61 : vector<16xf32>
        %mul3A_65 = arith.constant 10 : i32
        %mul3A_66 = arith.muli %add3A_45, %mul3A_65 : i32
        %add3A_67 = arith.constant 2 : i32
        %add3A_68 = arith.addi %mul3A_66, %add3A_67 : i32
        %broadcast_in_dim3A_69 = vector.broadcast %add3A_68 : i32 to vector<16xi32>
        %gather3A_70 = tpu.vector_load_idx %arg4[%iota3A, %broadcast_in_dim3A_69] : memref<16x1000xf32, #tpu.memory_space<vmem>>[vector<16xi32>, vector<16xi32>], vector<16xf32>,
        %exp3A_71 = math.exp %gather3A_70 : vector<16xf32>
        %broadcast_in_dim3A_72 = vector.broadcast %add3A_68 : i32 to vector<16xi32>
        tpu.vector_store_idx %arg5[%iota3A, %broadcast_in_dim3A_72], %exp3A_71 : memref<16x1000xf32, #tpu.memory_space<vmem>>[vector<16xi32>, vector<16xi32>], vector<16xf32>,
        %add3A_73 = arith.addf %add3A_63, %gather3A_70 : vector<16xf32>
        %add3A_74 = arith.addf %add3A_64, %exp3A_71 : vector<16xf32>
        %mul3A_75 = arith.constant 10 : i32
        %mul3A_76 = arith.muli %add3A_45, %mul3A_75 : i32
        %add3A_77 = arith.constant 3 : i32
        %add3A_78 = arith.addi %mul3A_76, %add3A_77 : i32
        %broadcast_in_dim3A_79 = vector.broadcast %add3A_78 : i32 to vector<16xi32>
        %gather3A_80 = tpu.vector_load_idx %arg4[%iota3A, %broadcast_in_dim3A_79] : memref<16x1000xf32, #tpu.memory_space<vmem>>[vector<16xi32>, vector<16xi32>], vector<16xf32>,
        %exp3A_81 = math.exp %gather3A_80 : vector<16xf32>
        %broadcast_in_dim3A_82 = vector.broadcast %add3A_78 : i32 to vector<16xi32>
        tpu.vector_store_idx %arg5[%iota3A, %broadcast_in_dim3A_82], %exp3A_81 : memref<16x1000xf32, #tpu.memory_space<vmem>>[vector<16xi32>, vector<16xi32>], vector<16xf32>,
        %add3A_83 = arith.addf %add3A_73, %gather3A_80 : vector<16xf32>
        %add3A_84 = arith.addf %add3A_74, %exp3A_81 : vector<16xf32>
        %mul3A_85 = arith.constant 10 : i32
        %mul3A_86 = arith.muli %add3A_45, %mul3A_85 : i32
        %add3A_87 = arith.constant 4 : i32
        %add3A_88 = arith.addi %mul3A_86, %add3A_87 : i32
        %broadcast_in_dim3A_89 = vector.broadcast %add3A_88 : i32 to vector<16xi32>
        %gather3A_90 = tpu.vector_load_idx %arg4[%iota3A, %broadcast_in_dim3A_89] : memref<16x1000xf32, #tpu.memory_space<vmem>>[vector<16xi32>, vector<16xi32>], vector<16xf32>,
        %exp3A_91 = math.exp %gather3A_90 : vector<16xf32>
        %broadcast_in_dim3A_92 = vector.broadcast %add3A_88 : i32 to vector<16xi32>
        tpu.vector_store_idx %arg5[%iota3A, %broadcast_in_dim3A_92], %exp3A_91 : memref<16x1000xf32, #tpu.memory_space<vmem>>[vector<16xi32>, vector<16xi32>], vector<16xf32>,
        %add3A_93 = arith.addf %add3A_83, %gather3A_90 : vector<16xf32>
        %add3A_94 = arith.addf %add3A_84, %exp3A_91 : vector<16xf32>
        %mul3A_95 = arith.constant 10 : i32
        %mul3A_96 = arith.muli %add3A_45, %mul3A_95 : i32
        %add3A_97 = arith.constant 5 : i32
        %add3A_98 = arith.addi %mul3A_96, %add3A_97 : i32
        %broadcast_in_dim3A_99 = vector.broadcast %add3A_98 : i32 to vector<16xi32>
        %gather3A_100 = tpu.vector_load_idx %arg4[%iota3A, %broadcast_in_dim3A_99] : memref<16x1000xf32, #tpu.memory_space<vmem>>[vector<16xi32>, vector<16xi32>], vector<16xf32>,
        %exp3A_101 = math.exp %gather3A_100 : vector<16xf32>
        %broadcast_in_dim3A_102 = vector.broadcast %add3A_98 : i32 to vector<16xi32>
        tpu.vector_store_idx %arg5[%iota3A, %broadcast_in_dim3A_102], %exp3A_101 : memref<16x1000xf32, #tpu.memory_space<vmem>>[vector<16xi32>, vector<16xi32>], vector<16xf32>,
        %add3A_103 = arith.addf %add3A_93, %gather3A_100 : vector<16xf32>
        %add3A_104 = arith.addf %add3A_94, %exp3A_101 : vector<16xf32>
        %mul3A_105 = arith.constant 10 : i32
        %mul3A_106 = arith.muli %add3A_45, %mul3A_105 : i32
        %add3A_107 = arith.constant 6 : i32
        %add3A_108 = arith.addi %mul3A_106, %add3A_107 : i32
        %broadcast_in_dim3A_109 = vector.broadcast %add3A_108 : i32 to vector<16xi32>
        %gather3A_110 = tpu.vector_load_idx %arg4[%iota3A, %broadcast_in_dim3A_109] : memref<16x1000xf32, #tpu.memory_space<vmem>>[vector<16xi32>, vector<16xi32>], vector<16xf32>,
        %exp3A_111 = math.exp %gather3A_110 : vector<16xf32>
        %broadcast_in_dim3A_112 = vector.broadcast %add3A_108 : i32 to vector<16xi32>
        tpu.vector_store_idx %arg5[%iota3A, %broadcast_in_dim3A_112], %exp3A_111 : memref<16x1000xf32, #tpu.memory_space<vmem>>[vector<16xi32>, vector<16xi32>], vector<16xf32>,
        %add3A_113 = arith.addf %add3A_103, %gather3A_110 : vector<16xf32>
        %add3A_114 = arith.addf %add3A_104, %exp3A_111 : vector<16xf32>
        %mul3A_115 = arith.constant 10 : i32
        %mul3A_116 = arith.muli %add3A_45, %mul3A_115 : i32
        %add3A_117 = arith.constant 7 : i32
        %add3A_118 = arith.addi %mul3A_116, %add3A_117 : i32
        %broadcast_in_dim3A_119 = vector.broadcast %add3A_118 : i32 to vector<16xi32>
        %gather3A_120 = tpu.vector_load_idx %arg4[%iota3A, %broadcast_in_dim3A_119] : memref<16x1000xf32, #tpu.memory_space<vmem>>[vector<16xi32>, vector<16xi32>], vector<16xf32>,
        %exp3A_121 = math.exp %gather3A_120 : vector<16xf32>
        %broadcast_in_dim3A_122 = vector.broadcast %add3A_118 : i32 to vector<16xi32>
        tpu.vector_store_idx %arg5[%iota3A, %broadcast_in_dim3A_122], %exp3A_121 : memref<16x1000xf32, #tpu.memory_space<vmem>>[vector<16xi32>, vector<16xi32>], vector<16xf32>,
        %add3A_123 = arith.addf %add3A_113, %gather3A_120 : vector<16xf32>
        %add3A_124 = arith.addf %add3A_114, %exp3A_121 : vector<16xf32>
        %mul3A_125 = arith.constant 10 : i32
        %mul3A_126 = arith.muli %add3A_45, %mul3A_125 : i32
        %add3A_127 = arith.constant 8 : i32
        %add3A_128 = arith.addi %mul3A_126, %add3A_127 : i32
        %broadcast_in_dim3A_129 = vector.broadcast %add3A_128 : i32 to vector<16xi32>
        %gather3A_130 = tpu.vector_load_idx %arg4[%iota3A, %broadcast_in_dim3A_129] : memref<16x1000xf32, #tpu.memory_space<vmem>>[vector<16xi32>, vector<16xi32>], vector<16xf32>,
        %exp3A_131 = math.exp %gather3A_130 : vector<16xf32>
        %broadcast_in_dim3A_132 = vector.broadcast %add3A_128 : i32 to vector<16xi32>
        tpu.vector_store_idx %arg5[%iota3A, %broadcast_in_dim3A_132], %exp3A_131 : memref<16x1000xf32, #tpu.memory_space<vmem>>[vector<16xi32>, vector<16xi32>], vector<16xf32>,
        %add3A_133 = arith.addf %add3A_123, %gather3A_130 : vector<16xf32>
        %add3A_134 = arith.addf %add3A_124, %exp3A_131 : vector<16xf32>
        %mul3A_135 = arith.constant 10 : i32
        %mul3A_136 = arith.muli %add3A_45, %mul3A_135 : i32
        %add3A_137 = arith.constant 9 : i32
        %add3A_138 = arith.addi %mul3A_136, %add3A_137 : i32
        %broadcast_in_dim3A_139 = vector.broadcast %add3A_138 : i32 to vector<16xi32>
        %gather3A_140 = tpu.vector_load_idx %arg4[%iota3A, %broadcast_in_dim3A_139] : memref<16x1000xf32, #tpu.memory_space<vmem>>[vector<16xi32>, vector<16xi32>], vector<16xf32>,
        %exp3A_141 = math.exp %gather3A_140 : vector<16xf32>
        %broadcast_in_dim3A_142 = vector.broadcast %add3A_138 : i32 to vector<16xi32>
        tpu.vector_store_idx %arg5[%iota3A, %broadcast_in_dim3A_142], %exp3A_141 : memref<16x1000xf32, #tpu.memory_space<vmem>>[vector<16xi32>, vector<16xi32>], vector<16xf32>,
        %add3A_143 = arith.addf %add3A_133, %gather3A_140 : vector<16xf32>
        %add3A_144 = arith.addf %add3A_134, %exp3A_141 : vector<16xf32>
        %mul3A_145 = arith.constant 1.000000e-01 : f32
        %mul3A_146 = vector.broadcast %mul3A_145 : f32 to vector<16xf32>
        %mul3A_147 = arith.mulf %add3A_143, %mul3A_146 : vector<16xf32>
        %exp3A_148 = math.exp %mul3A_147 : vector<16xf32>
        %broadcast_in_dim3A_149 = vector.broadcast %add3A_45 : i32 to vector<16xi32>
        tpu.vector_store_idx %arg7[%iota3A, %broadcast_in_dim3A_149], %add3A_144 : memref<16x100xf32, #tpu.memory_space<vmem>>[vector<16xi32>, vector<16xi32>], vector<16xf32>,
        %broadcast_in_dim3A_150 = vector.broadcast %add3A_45 : i32 to vector<16xi32>
        tpu.vector_store_idx %arg8[%iota3A, %broadcast_in_dim3A_150], %exp3A_148 : memref<16x100xf32, #tpu.memory_space<vmem>>[vector<16xi32>, vector<16xi32>], vector<16xf32>,
        %add3A_151 = arith.addf %scan3A_41, %mul3A_147 : vector<16xf32>
        %add3A_152 = arith.addf %scan3A_42, %exp3A_148 : vector<16xf32>
        scf.yield %add3A_151, %add3A_152 : vector<16xf32>, vector<16xf32>
      }
      %scan3A_33 = arith.constant 10 : i32
      %mul3A_34 = arith.constant 1.000000e-01 : f32
      %mul3A_35 = vector.broadcast %mul3A_34 : f32 to vector<16xf32>
      %mul3A_36 = arith.mulf %scan3A_32#0, %mul3A_35 : vector<16xf32>
      %exp3A = math.exp %mul3A_36 : vector<16xf32>
      %broadcast_in_dim3A_37 = vector.broadcast %scan3A_26 : i32 to vector<16xi32>
      tpu.vector_store_idx %arg9[%iota3A, %broadcast_in_dim3A_37], %scan3A_32#1 : memref<16x16xf32, #tpu.memory_space<vmem>>[vector<16xi32>, vector<16xi32>], vector<16xf32>,
      %broadcast_in_dim3A_38 = vector.broadcast %scan3A_26 : i32 to vector<16xi32>
      tpu.vector_store_idx %arg10[%iota3A, %broadcast_in_dim3A_38], %exp3A : memref<16x16xf32, #tpu.memory_space<vmem>>[vector<16xi32>, vector<16xi32>], vector<16xf32>,
      %add3A_39 = arith.addf %scan3A_27, %exp3A : vector<16xf32>
      scf.yield %add3A_39 : vector<16xf32>
    }
    %scan3A_15 = arith.constant 10 : i32
    %scan3A_16 = arith.constant 0 : i32
    %scan3A_17 = arith.constant 0 : i32
    %scan3A_18 = arith.constant 10 : i32
    %scan3A_19 = arith.addi %scan3A_17, %scan3A_18 : i32
    %scan3A_20 = arith.constant 1 : i32
    %scan3A_21 = scf.for %scan3A_26 = %scan3A_17 to %scan3A_19 step %scan3A_20 iter_args(%scan3A_27 = %scan3A_16) -> (i32)  : i32 {
      %broadcast_in_dim3A_28 = vector.broadcast %scan3A_26 : i32 to vector<16xi32>
      %gather3A = tpu.vector_load_idx %arg10[%iota3A, %broadcast_in_dim3A_28] : memref<16x16xf32, #tpu.memory_space<vmem>>[vector<16xi32>, vector<16xi32>], vector<16xf32>,
      %broadcast_in_dim3A_29 = vector.broadcast %scan3A_26 : i32 to vector<16xi32>
      %gather3A_30 = tpu.vector_load_idx %arg9[%iota3A, %broadcast_in_dim3A_29] : memref<16x16xf32, #tpu.memory_space<vmem>>[vector<16xi32>, vector<16xi32>], vector<16xf32>,
      %mul3A_31 = arith.mulf %scan3A_14, %gather3A_30 : vector<16xf32>
      %div3A = arith.divf %gather3A, %mul3A_31 : vector<16xf32>
      %scan3A_32 = arith.constant 0 : i32
      %scan3A_33 = arith.constant 0 : i32
      %scan3A_34 = arith.constant 10 : i32
      %scan3A_35 = arith.addi %scan3A_33, %scan3A_34 : i32
      %scan3A_36 = arith.constant 1 : i32
      %scan3A_37 = scf.for %scan3A_39 = %scan3A_33 to %scan3A_35 step %scan3A_36 iter_args(%scan3A_40 = %scan3A_32) -> (i32)  : i32 {
        %mul3A_41 = arith.constant 10 : i32
        %mul3A_42 = arith.muli %scan3A_26, %mul3A_41 : i32
        %add3A_43 = arith.addi %mul3A_42, %scan3A_39 : i32
        %broadcast_in_dim3A_44 = vector.broadcast %add3A_43 : i32 to vector<16xi32>
        %gather3A_45 = tpu.vector_load_idx %arg8[%iota3A, %broadcast_in_dim3A_44] : memref<16x100xf32, #tpu.memory_space<vmem>>[vector<16xi32>, vector<16xi32>], vector<16xf32>,
        %mul3A_46 = arith.mulf %gather3A_45, %div3A : vector<16xf32>
        %broadcast_in_dim3A_47 = vector.broadcast %add3A_43 : i32 to vector<16xi32>
        %gather3A_48 = tpu.vector_load_idx %arg7[%iota3A, %broadcast_in_dim3A_47] : memref<16x100xf32, #tpu.memory_space<vmem>>[vector<16xi32>, vector<16xi32>], vector<16xf32>,
        %div3A_49 = arith.divf %mul3A_46, %gather3A_48 : vector<16xf32>
        %mul3A_50 = arith.constant 10 : i32
        %mul3A_51 = arith.muli %add3A_43, %mul3A_50 : i32
        %add3A_52 = arith.constant 0 : i32
        %add3A_53 = arith.addi %mul3A_51, %add3A_52 : i32
        %broadcast_in_dim3A_54 = vector.broadcast %add3A_53 : i32 to vector<16xi32>
        %gather3A_55 = tpu.vector_load_idx %arg5[%iota3A, %broadcast_in_dim3A_54] : memref<16x1000xf32, #tpu.memory_space<vmem>>[vector<16xi32>, vector<16xi32>], vector<16xf32>,
        %mul3A_56 = arith.mulf %gather3A_55, %div3A_49 : vector<16xf32>
        %broadcast_in_dim3A_57 = vector.broadcast %add3A_53 : i32 to vector<16xi32>
        tpu.vector_store_idx %arg6[%iota3A, %broadcast_in_dim3A_57], %mul3A_56 : memref<16x1000xf32, #tpu.memory_space<vmem>>[vector<16xi32>, vector<16xi32>], vector<16xf32>,
        %mul3A_58 = arith.constant 10 : i32
        %mul3A_59 = arith.muli %add3A_43, %mul3A_58 : i32
        %add3A_60 = arith.constant 1 : i32
        %add3A_61 = arith.addi %mul3A_59, %add3A_60 : i32
        %broadcast_in_dim3A_62 = vector.broadcast %add3A_61 : i32 to vector<16xi32>
        %gather3A_63 = tpu.vector_load_idx %arg5[%iota3A, %broadcast_in_dim3A_62] : memref<16x1000xf32, #tpu.memory_space<vmem>>[vector<16xi32>, vector<16xi32>], vector<16xf32>,
        %mul3A_64 = arith.mulf %gather3A_63, %div3A_49 : vector<16xf32>
        %broadcast_in_dim3A_65 = vector.broadcast %add3A_61 : i32 to vector<16xi32>
        tpu.vector_store_idx %arg6[%iota3A, %broadcast_in_dim3A_65], %mul3A_64 : memref<16x1000xf32, #tpu.memory_space<vmem>>[vector<16xi32>, vector<16xi32>], vector<16xf32>,
        %mul3A_66 = arith.constant 10 : i32
        %mul3A_67 = arith.muli %add3A_43, %mul3A_66 : i32
        %add3A_68 = arith.constant 2 : i32
        %add3A_69 = arith.addi %mul3A_67, %add3A_68 : i32
        %broadcast_in_dim3A_70 = vector.broadcast %add3A_69 : i32 to vector<16xi32>
        %gather3A_71 = tpu.vector_load_idx %arg5[%iota3A, %broadcast_in_dim3A_70] : memref<16x1000xf32, #tpu.memory_space<vmem>>[vector<16xi32>, vector<16xi32>], vector<16xf32>,
        %mul3A_72 = arith.mulf %gather3A_71, %div3A_49 : vector<16xf32>
        %broadcast_in_dim3A_73 = vector.broadcast %add3A_69 : i32 to vector<16xi32>
        tpu.vector_store_idx %arg6[%iota3A, %broadcast_in_dim3A_73], %mul3A_72 : memref<16x1000xf32, #tpu.memory_space<vmem>>[vector<16xi32>, vector<16xi32>], vector<16xf32>,
        %mul3A_74 = arith.constant 10 : i32
        %mul3A_75 = arith.muli %add3A_43, %mul3A_74 : i32
        %add3A_76 = arith.constant 3 : i32
        %add3A_77 = arith.addi %mul3A_75, %add3A_76 : i32
        %broadcast_in_dim3A_78 = vector.broadcast %add3A_77 : i32 to vector<16xi32>
        %gather3A_79 = tpu.vector_load_idx %arg5[%iota3A, %broadcast_in_dim3A_78] : memref<16x1000xf32, #tpu.memory_space<vmem>>[vector<16xi32>, vector<16xi32>], vector<16xf32>,
        %mul3A_80 = arith.mulf %gather3A_79, %div3A_49 : vector<16xf32>
        %broadcast_in_dim3A_81 = vector.broadcast %add3A_77 : i32 to vector<16xi32>
        tpu.vector_store_idx %arg6[%iota3A, %broadcast_in_dim3A_81], %mul3A_80 : memref<16x1000xf32, #tpu.memory_space<vmem>>[vector<16xi32>, vector<16xi32>], vector<16xf32>,
        %mul3A_82 = arith.constant 10 : i32
        %mul3A_83 = arith.muli %add3A_43, %mul3A_82 : i32
        %add3A_84 = arith.constant 4 : i32
        %add3A_85 = arith.addi %mul3A_83, %add3A_84 : i32
        %broadcast_in_dim3A_86 = vector.broadcast %add3A_85 : i32 to vector<16xi32>
        %gather3A_87 = tpu.vector_load_idx %arg5[%iota3A, %broadcast_in_dim3A_86] : memref<16x1000xf32, #tpu.memory_space<vmem>>[vector<16xi32>, vector<16xi32>], vector<16xf32>,
        %mul3A_88 = arith.mulf %gather3A_87, %div3A_49 : vector<16xf32>
        %broadcast_in_dim3A_89 = vector.broadcast %add3A_85 : i32 to vector<16xi32>
        tpu.vector_store_idx %arg6[%iota3A, %broadcast_in_dim3A_89], %mul3A_88 : memref<16x1000xf32, #tpu.memory_space<vmem>>[vector<16xi32>, vector<16xi32>], vector<16xf32>,
        %mul3A_90 = arith.constant 10 : i32
        %mul3A_91 = arith.muli %add3A_43, %mul3A_90 : i32
        %add3A_92 = arith.constant 5 : i32
        %add3A_93 = arith.addi %mul3A_91, %add3A_92 : i32
        %broadcast_in_dim3A_94 = vector.broadcast %add3A_93 : i32 to vector<16xi32>
        %gather3A_95 = tpu.vector_load_idx %arg5[%iota3A, %broadcast_in_dim3A_94] : memref<16x1000xf32, #tpu.memory_space<vmem>>[vector<16xi32>, vector<16xi32>], vector<16xf32>,
        %mul3A_96 = arith.mulf %gather3A_95, %div3A_49 : vector<16xf32>
        %broadcast_in_dim3A_97 = vector.broadcast %add3A_93 : i32 to vector<16xi32>
        tpu.vector_store_idx %arg6[%iota3A, %broadcast_in_dim3A_97], %mul3A_96 : memref<16x1000xf32, #tpu.memory_space<vmem>>[vector<16xi32>, vector<16xi32>], vector<16xf32>,
        %mul3A_98 = arith.constant 10 : i32
        %mul3A_99 = arith.muli %add3A_43, %mul3A_98 : i32
        %add3A_100 = arith.constant 6 : i32
        %add3A_101 = arith.addi %mul3A_99, %add3A_100 : i32
        %broadcast_in_dim3A_102 = vector.broadcast %add3A_101 : i32 to vector<16xi32>
        %gather3A_103 = tpu.vector_load_idx %arg5[%iota3A, %broadcast_in_dim3A_102] : memref<16x1000xf32, #tpu.memory_space<vmem>>[vector<16xi32>, vector<16xi32>], vector<16xf32>,
        %mul3A_104 = arith.mulf %gather3A_103, %div3A_49 : vector<16xf32>
        %broadcast_in_dim3A_105 = vector.broadcast %add3A_101 : i32 to vector<16xi32>
        tpu.vector_store_idx %arg6[%iota3A, %broadcast_in_dim3A_105], %mul3A_104 : memref<16x1000xf32, #tpu.memory_space<vmem>>[vector<16xi32>, vector<16xi32>], vector<16xf32>,
        %mul3A_106 = arith.constant 10 : i32
        %mul3A_107 = arith.muli %add3A_43, %mul3A_106 : i32
        %add3A_108 = arith.constant 7 : i32
        %add3A_109 = arith.addi %mul3A_107, %add3A_108 : i32
        %broadcast_in_dim3A_110 = vector.broadcast %add3A_109 : i32 to vector<16xi32>
        %gather3A_111 = tpu.vector_load_idx %arg5[%iota3A, %broadcast_in_dim3A_110] : memref<16x1000xf32, #tpu.memory_space<vmem>>[vector<16xi32>, vector<16xi32>], vector<16xf32>,
        %mul3A_112 = arith.mulf %gather3A_111, %div3A_49 : vector<16xf32>
        %broadcast_in_dim3A_113 = vector.broadcast %add3A_109 : i32 to vector<16xi32>
        tpu.vector_store_idx %arg6[%iota3A, %broadcast_in_dim3A_113], %mul3A_112 : memref<16x1000xf32, #tpu.memory_space<vmem>>[vector<16xi32>, vector<16xi32>], vector<16xf32>,
        %mul3A_114 = arith.constant 10 : i32
        %mul3A_115 = arith.muli %add3A_43, %mul3A_114 : i32
        %add3A_116 = arith.constant 8 : i32
        %add3A_117 = arith.addi %mul3A_115, %add3A_116 : i32
        %broadcast_in_dim3A_118 = vector.broadcast %add3A_117 : i32 to vector<16xi32>
        %gather3A_119 = tpu.vector_load_idx %arg5[%iota3A, %broadcast_in_dim3A_118] : memref<16x1000xf32, #tpu.memory_space<vmem>>[vector<16xi32>, vector<16xi32>], vector<16xf32>,
        %mul3A_120 = arith.mulf %gather3A_119, %div3A_49 : vector<16xf32>
        %broadcast_in_dim3A_121 = vector.broadcast %add3A_117 : i32 to vector<16xi32>
        tpu.vector_store_idx %arg6[%iota3A, %broadcast_in_dim3A_121], %mul3A_120 : memref<16x1000xf32, #tpu.memory_space<vmem>>[vector<16xi32>, vector<16xi32>], vector<16xf32>,
        %mul3A_122 = arith.constant 10 : i32
        %mul3A_123 = arith.muli %add3A_43, %mul3A_122 : i32
        %add3A_124 = arith.constant 9 : i32
        %add3A_125 = arith.addi %mul3A_123, %add3A_124 : i32
        %broadcast_in_dim3A_126 = vector.broadcast %add3A_125 : i32 to vector<16xi32>
        %gather3A_127 = tpu.vector_load_idx %arg5[%iota3A, %broadcast_in_dim3A_126] : memref<16x1000xf32, #tpu.memory_space<vmem>>[vector<16xi32>, vector<16xi32>], vector<16xf32>,
        %mul3A_128 = arith.mulf %gather3A_127, %div3A_49 : vector<16xf32>
        %broadcast_in_dim3A_129 = vector.broadcast %add3A_125 : i32 to vector<16xi32>
        tpu.vector_store_idx %arg6[%iota3A, %broadcast_in_dim3A_129], %mul3A_128 : memref<16x1000xf32, #tpu.memory_space<vmem>>[vector<16xi32>, vector<16xi32>], vector<16xf32>,
        %scan3A_130 = arith.constant 0 : i32
        scf.yield %scan3A_130 : i32
      }
      %scan3A_38 = arith.constant 10 : i32
      scf.yield %scan3A_37 : i32
    }
    %scan3A_22 = arith.constant 10 : i32
    %sub3A = arith.constant 3584 : i32
    %sub3A_23 = arith.subi %add3A_9, %sub3A : i32
    "tpu.region"() ({
      %run_scoped3A = tpu.sem_alloc : memref<!tpu.dma_semaphore, #tpu.memory_space<semaphore_mem>>
      %dma_start3A = arith.constant 0 : i32
      %dma_start3A_26 = tpu.memref_slice %arg3[%sub3A_23, %dma_start3A] : memref<512x1000xf32, #tpu.memory_space<hbm>> -> memref<16x1000xf32, #tpu.memory_space<hbm>>
      %dma_start3A_27 = arith.constant 0 : i32
      %dma_start3A_28 = tpu.memref_slice %arg3[%sub3A_23, %dma_start3A_27] : memref<512x1000xf32, #tpu.memory_space<hbm>> -> memref<16x1000xf32, #tpu.memory_space<hbm>>
      tpu.enqueue_dma source(%arg6 : memref<16x1000xf32, #tpu.memory_space<vmem>>) target(%dma_start3A_28 : memref<16x1000xf32, #tpu.memory_space<hbm>>) target_semaphore(%run_scoped3A : memref<!tpu.dma_semaphore, #tpu.memory_space<semaphore_mem>>)
      %dma_wait3A = arith.constant 0 : i32
      %dma_wait3A_29 = tpu.memref_slice %arg3[%sub3A_23, %dma_wait3A] : memref<512x1000xf32, #tpu.memory_space<hbm>> -> memref<16x1000xf32, #tpu.memory_space<hbm>>
      %dma_wait3A_30 = arith.constant 0 : i32
      %dma_wait3A_31 = tpu.memref_slice %arg3[%sub3A_23, %dma_wait3A_30] : memref<512x1000xf32, #tpu.memory_space<hbm>> -> memref<16x1000xf32, #tpu.memory_space<hbm>>
      tpu.wait_dma2 semaphore(%run_scoped3A : memref<!tpu.dma_semaphore, #tpu.memory_space<semaphore_mem>>) src(%arg6 : memref<16x1000xf32, #tpu.memory_space<vmem>>) dst(%dma_wait3A_31 : memref<16x1000xf32, #tpu.memory_space<hbm>>)
      tpu.yield
    }) : () -> ()
    %scan3A_24 = arith.constant 0 : i32
    %scan3A_25 = arith.constant 1 : i32
    return
  }
}

module attributes {stable_mosaic.version = 14 : i64} {
  func.func @_tc_body(%arg0: i32, %arg1: memref<512x1000xf32, #tpu.memory_space<vmem>>, %arg2: memref<512x1000xf32, #tpu.memory_space<vmem>>) attributes {dimension_semantics = [#tpu.dimension_semantics<arbitrary>], iteration_bounds = array<i64: 7>, scalar_prefetch = 0 : i64, scratch_operands = 0 : i64, tpu.core_type = #tpu.core_type<tc>, window_params = [{transform_indices = @transform_0, window_bounds = array<i64: 512, 1000>}, {transform_indices = @transform_1, window_bounds = array<i64: 512, 1000>}]} {
    %get3A = arith.constant 0 : index
    %get3A_0 = arith.constant 0 : index
    %get3A_1 = vector.load %arg1[%get3A, %get3A_0] : memref<512x1000xf32, #tpu.memory_space<vmem>>, vector<512x1000xf32>
    %exp3A = math.exp %get3A_1 : vector<512x1000xf32>
    %iota3A = tpu.iota {dimensions = array<i32: 0>} : vector<1000x100xi32>
    %iota3A_2 = tpu.iota {dimensions = array<i32: 1>} : vector<1000x100xi32>
    %jit3A = arith.constant 10 : i32
    %div3A = vector.broadcast %jit3A : i32 to vector<1000x100xi32>
    %div3A_3 = arith.divsi %iota3A, %div3A : vector<1000x100xi32>
    %sign3A = arith.constant 0 : i32
    %sign3A_4 = vector.broadcast %sign3A : i32 to vector<1000x100xi32>
    %sign3A_5 = arith.cmpi sgt, %iota3A, %sign3A_4 : vector<1000x100xi32>
    %sign3A_6 = arith.extui %sign3A_5 : vector<1000x100xi1> to vector<1000x100xi32>
    %sign3A_7 = arith.constant 0 : i32
    %sign3A_8 = vector.broadcast %sign3A_7 : i32 to vector<1000x100xi32>
    %sign3A_9 = arith.cmpi slt, %iota3A, %sign3A_8 : vector<1000x100xi32>
    %sign3A_10 = arith.extui %sign3A_9 : vector<1000x100xi1> to vector<1000x100xi32>
    %sign3A_11 = arith.subi %sign3A_6, %sign3A_10 : vector<1000x100xi32>
    %sign3A_12 = arith.constant 0 : i32
    %sign3A_13 = arith.cmpi sgt, %jit3A, %sign3A_12 : i32
    %sign3A_14 = arith.extui %sign3A_13 : i1 to i32
    %sign3A_15 = arith.constant 0 : i32
    %sign3A_16 = arith.cmpi slt, %jit3A, %sign3A_15 : i32
    %sign3A_17 = arith.extui %sign3A_16 : i1 to i32
    %sign3A_18 = arith.subi %sign3A_14, %sign3A_17 : i32
    %ne3A = vector.broadcast %sign3A_18 : i32 to vector<1000x100xi32>
    %ne3A_19 = arith.cmpi ne, %sign3A_11, %ne3A : vector<1000x100xi32>
    %rem3A = vector.broadcast %jit3A : i32 to vector<1000x100xi32>
    %rem3A_20 = arith.remsi %iota3A, %rem3A : vector<1000x100xi32>
    %ne3A_21 = arith.constant 0 : i32
    %ne3A_22 = vector.broadcast %ne3A_21 : i32 to vector<1000x100xi32>
    %ne3A_23 = arith.cmpi ne, %rem3A_20, %ne3A_22 : vector<1000x100xi32>
    %and3A = arith.andi %ne3A_19, %ne3A_23 : vector<1000x100xi1>
    %sub3A = arith.constant 1 : i32
    %sub3A_24 = vector.broadcast %sub3A : i32 to vector<1000x100xi32>
    %sub3A_25 = arith.subi %div3A_3, %sub3A_24 : vector<1000x100xi32>
    %select_n3A = arith.select %and3A, %sub3A_25, %div3A_3 : vector<1000x100xi1>, vector<1000x100xi32>
    %eq3A = arith.cmpi eq, %select_n3A, %iota3A_2 : vector<1000x100xi32>
    %jit3A_26 = arith.constant 1.000000e+00 : f32
    %jit3A_27 = arith.constant 0.000000e+00 : f32
    %broadcast_in_dim3A = vector.broadcast %jit3A_26 : f32 to vector<1000x100xf32>
    %broadcast_in_dim3A_28 = vector.broadcast %jit3A_27 : f32 to vector<1000x100xf32>
    %select_n3A_29 = arith.select %eq3A, %broadcast_in_dim3A, %broadcast_in_dim3A_28 : vector<1000x100xi1>, vector<1000x100xf32>
    %iota3A_30 = tpu.iota {dimensions = array<i32: 0>} : vector<100x10xi32>
    %iota3A_31 = tpu.iota {dimensions = array<i32: 1>} : vector<100x10xi32>
    %jit3A_32 = arith.constant 10 : i32
    %div3A_33 = vector.broadcast %jit3A_32 : i32 to vector<100x10xi32>
    %div3A_34 = arith.divsi %iota3A_30, %div3A_33 : vector<100x10xi32>
    %sign3A_35 = arith.constant 0 : i32
    %sign3A_36 = vector.broadcast %sign3A_35 : i32 to vector<100x10xi32>
    %sign3A_37 = arith.cmpi sgt, %iota3A_30, %sign3A_36 : vector<100x10xi32>
    %sign3A_38 = arith.extui %sign3A_37 : vector<100x10xi1> to vector<100x10xi32>
    %sign3A_39 = arith.constant 0 : i32
    %sign3A_40 = vector.broadcast %sign3A_39 : i32 to vector<100x10xi32>
    %sign3A_41 = arith.cmpi slt, %iota3A_30, %sign3A_40 : vector<100x10xi32>
    %sign3A_42 = arith.extui %sign3A_41 : vector<100x10xi1> to vector<100x10xi32>
    %sign3A_43 = arith.subi %sign3A_38, %sign3A_42 : vector<100x10xi32>
    %sign3A_44 = arith.constant 0 : i32
    %sign3A_45 = arith.cmpi sgt, %jit3A_32, %sign3A_44 : i32
    %sign3A_46 = arith.extui %sign3A_45 : i1 to i32
    %sign3A_47 = arith.constant 0 : i32
    %sign3A_48 = arith.cmpi slt, %jit3A_32, %sign3A_47 : i32
    %sign3A_49 = arith.extui %sign3A_48 : i1 to i32
    %sign3A_50 = arith.subi %sign3A_46, %sign3A_49 : i32
    %ne3A_51 = vector.broadcast %sign3A_50 : i32 to vector<100x10xi32>
    %ne3A_52 = arith.cmpi ne, %sign3A_43, %ne3A_51 : vector<100x10xi32>
    %rem3A_53 = vector.broadcast %jit3A_32 : i32 to vector<100x10xi32>
    %rem3A_54 = arith.remsi %iota3A_30, %rem3A_53 : vector<100x10xi32>
    %ne3A_55 = arith.constant 0 : i32
    %ne3A_56 = vector.broadcast %ne3A_55 : i32 to vector<100x10xi32>
    %ne3A_57 = arith.cmpi ne, %rem3A_54, %ne3A_56 : vector<100x10xi32>
    %and3A_58 = arith.andi %ne3A_52, %ne3A_57 : vector<100x10xi1>
    %sub3A_59 = arith.constant 1 : i32
    %sub3A_60 = vector.broadcast %sub3A_59 : i32 to vector<100x10xi32>
    %sub3A_61 = arith.subi %div3A_34, %sub3A_60 : vector<100x10xi32>
    %select_n3A_62 = arith.select %and3A_58, %sub3A_61, %div3A_34 : vector<100x10xi1>, vector<100x10xi32>
    %eq3A_63 = arith.cmpi eq, %select_n3A_62, %iota3A_31 : vector<100x10xi32>
    %jit3A_64 = arith.constant 1.000000e+00 : f32
    %jit3A_65 = arith.constant 0.000000e+00 : f32
    %broadcast_in_dim3A_66 = vector.broadcast %jit3A_64 : f32 to vector<100x10xf32>
    %broadcast_in_dim3A_67 = vector.broadcast %jit3A_65 : f32 to vector<100x10xf32>
    %select_n3A_68 = arith.select %eq3A_63, %broadcast_in_dim3A_66, %broadcast_in_dim3A_67 : vector<100x10xi1>, vector<100x10xf32>
    %dot_general3A = arith.constant dense<0.000000e+00> : vector<512x100xf32>
    %dot_general3A_69 = tpu.matmul %exp3A, %select_n3A_29, %dot_general3A {dimension_numbers = #tpu.dot_dimension_numbers<[1], [0], [0], [1], [0, 0, 1, 1], [], []>, transpose_lhs_hint = false} : vector<512x1000xf32>, vector<1000x100xf32>, vector<512x100xf32> -> vector<512x100xf32>
    %dot_general3A_70 = arith.constant dense<0.000000e+00> : vector<512x100xf32>
    %dot_general3A_71 = tpu.matmul %get3A_1, %select_n3A_29, %dot_general3A_70 {dimension_numbers = #tpu.dot_dimension_numbers<[1], [0], [0], [1], [0, 0, 1, 1], [], []>, transpose_lhs_hint = false} : vector<512x1000xf32>, vector<1000x100xf32>, vector<512x100xf32> -> vector<512x100xf32>
    %mul3A = arith.constant 1.000000e-01 : f32
    %mul3A_72 = vector.broadcast %mul3A : f32 to vector<512x100xf32>
    %mul3A_73 = arith.mulf %dot_general3A_71, %mul3A_72 : vector<512x100xf32>
    %reduce_max3A = arith.constant dense<0xFF800000> : vector<512xf32>
    %reduce_max3A_74 = vector.multi_reduction <maximumf>, %mul3A_73, %reduce_max3A [1] : vector<512x100xf32> to vector<512xf32>
    %broadcast_in_dim3A_75 = vector.shape_cast %reduce_max3A_74 : vector<512xf32> to vector<512x1xf32>
    %sub3A_76 = vector.broadcast %broadcast_in_dim3A_75 : vector<512x1xf32> to vector<512x100xf32>
    %sub3A_77 = arith.subf %mul3A_73, %sub3A_76 : vector<512x100xf32>
    %exp3A_78 = math.exp %sub3A_77 : vector<512x100xf32>
    %dot_general3A_79 = arith.constant dense<0.000000e+00> : vector<512x10xf32>
    %dot_general3A_80 = tpu.matmul %exp3A_78, %select_n3A_68, %dot_general3A_79 {dimension_numbers = #tpu.dot_dimension_numbers<[1], [0], [0], [1], [0, 0, 1, 1], [], []>, transpose_lhs_hint = false} : vector<512x100xf32>, vector<100x10xf32>, vector<512x10xf32> -> vector<512x10xf32>
    %dot_general3A_81 = arith.constant dense<0.000000e+00> : vector<512x10xf32>
    %dot_general3A_82 = tpu.matmul %sub3A_77, %select_n3A_68, %dot_general3A_81 {dimension_numbers = #tpu.dot_dimension_numbers<[1], [0], [0], [1], [0, 0, 1, 1], [], []>, transpose_lhs_hint = false} : vector<512x100xf32>, vector<100x10xf32>, vector<512x10xf32> -> vector<512x10xf32>
    %mul3A_83 = arith.constant 1.000000e-01 : f32
    %mul3A_84 = vector.broadcast %mul3A_83 : f32 to vector<512x10xf32>
    %mul3A_85 = arith.mulf %dot_general3A_82, %mul3A_84 : vector<512x10xf32>
    %reduce_max3A_86 = arith.constant dense<0xFF800000> : vector<512xf32>
    %reduce_max3A_87 = vector.multi_reduction <maximumf>, %mul3A_85, %reduce_max3A_86 [1] : vector<512x10xf32> to vector<512xf32>
    %broadcast_in_dim3A_88 = vector.shape_cast %reduce_max3A_87 : vector<512xf32> to vector<512x1xf32>
    %sub3A_89 = vector.broadcast %broadcast_in_dim3A_88 : vector<512x1xf32> to vector<512x10xf32>
    %sub3A_90 = arith.subf %mul3A_85, %sub3A_89 : vector<512x10xf32>
    %exp3A_91 = math.exp %sub3A_90 : vector<512x10xf32>
    %reduce_sum3A = arith.constant dense<0.000000e+00> : vector<512xf32>
    %reduce_sum3A_92 = vector.multi_reduction <add>, %exp3A_91, %reduce_sum3A [1] : vector<512x10xf32> to vector<512xf32>
    %broadcast_in_dim3A_93 = vector.shape_cast %reduce_sum3A_92 : vector<512xf32> to vector<512x1xf32>
    %div3A_94 = vector.broadcast %broadcast_in_dim3A_93 : vector<512x1xf32> to vector<512x10xf32>
    %div3A_95 = arith.divf %exp3A_91, %div3A_94 : vector<512x10xf32>
    %iota3A_96 = tpu.iota {dimensions = array<i32: 0>} : vector<10x100xi32>
    %iota3A_97 = tpu.iota {dimensions = array<i32: 1>} : vector<10x100xi32>
    %jit3A_98 = arith.constant 10 : i32
    %div3A_99 = vector.broadcast %jit3A_98 : i32 to vector<10x100xi32>
    %div3A_100 = arith.divsi %iota3A_97, %div3A_99 : vector<10x100xi32>
    %sign3A_101 = arith.constant 0 : i32
    %sign3A_102 = vector.broadcast %sign3A_101 : i32 to vector<10x100xi32>
    %sign3A_103 = arith.cmpi sgt, %iota3A_97, %sign3A_102 : vector<10x100xi32>
    %sign3A_104 = arith.extui %sign3A_103 : vector<10x100xi1> to vector<10x100xi32>
    %sign3A_105 = arith.constant 0 : i32
    %sign3A_106 = vector.broadcast %sign3A_105 : i32 to vector<10x100xi32>
    %sign3A_107 = arith.cmpi slt, %iota3A_97, %sign3A_106 : vector<10x100xi32>
    %sign3A_108 = arith.extui %sign3A_107 : vector<10x100xi1> to vector<10x100xi32>
    %sign3A_109 = arith.subi %sign3A_104, %sign3A_108 : vector<10x100xi32>
    %sign3A_110 = arith.constant 0 : i32
    %sign3A_111 = arith.cmpi sgt, %jit3A_98, %sign3A_110 : i32
    %sign3A_112 = arith.extui %sign3A_111 : i1 to i32
    %sign3A_113 = arith.constant 0 : i32
    %sign3A_114 = arith.cmpi slt, %jit3A_98, %sign3A_113 : i32
    %sign3A_115 = arith.extui %sign3A_114 : i1 to i32
    %sign3A_116 = arith.subi %sign3A_112, %sign3A_115 : i32
    %ne3A_117 = vector.broadcast %sign3A_116 : i32 to vector<10x100xi32>
    %ne3A_118 = arith.cmpi ne, %sign3A_109, %ne3A_117 : vector<10x100xi32>
    %rem3A_119 = vector.broadcast %jit3A_98 : i32 to vector<10x100xi32>
    %rem3A_120 = arith.remsi %iota3A_97, %rem3A_119 : vector<10x100xi32>
    %ne3A_121 = arith.constant 0 : i32
    %ne3A_122 = vector.broadcast %ne3A_121 : i32 to vector<10x100xi32>
    %ne3A_123 = arith.cmpi ne, %rem3A_120, %ne3A_122 : vector<10x100xi32>
    %and3A_124 = arith.andi %ne3A_118, %ne3A_123 : vector<10x100xi1>
    %sub3A_125 = arith.constant 1 : i32
    %sub3A_126 = vector.broadcast %sub3A_125 : i32 to vector<10x100xi32>
    %sub3A_127 = arith.subi %div3A_100, %sub3A_126 : vector<10x100xi32>
    %select_n3A_128 = arith.select %and3A_124, %sub3A_127, %div3A_100 : vector<10x100xi1>, vector<10x100xi32>
    %eq3A_129 = arith.cmpi eq, %select_n3A_128, %iota3A_96 : vector<10x100xi32>
    %jit3A_130 = arith.constant 1.000000e+00 : f32
    %jit3A_131 = arith.constant 0.000000e+00 : f32
    %broadcast_in_dim3A_132 = vector.broadcast %jit3A_130 : f32 to vector<10x100xf32>
    %broadcast_in_dim3A_133 = vector.broadcast %jit3A_131 : f32 to vector<10x100xf32>
    %select_n3A_134 = arith.select %eq3A_129, %broadcast_in_dim3A_132, %broadcast_in_dim3A_133 : vector<10x100xi1>, vector<10x100xf32>
    %div3A_135 = arith.divf %div3A_95, %dot_general3A_80 : vector<512x10xf32>
    %dot_general3A_136 = arith.constant dense<0.000000e+00> : vector<512x100xf32>
    %dot_general3A_137 = tpu.matmul %div3A_135, %select_n3A_134, %dot_general3A_136 {dimension_numbers = #tpu.dot_dimension_numbers<[1], [0], [0], [1], [0, 0, 1, 1], [], []>, transpose_lhs_hint = false} : vector<512x10xf32>, vector<10x100xf32>, vector<512x100xf32> -> vector<512x100xf32>
    %mul3A_138 = arith.mulf %exp3A_78, %dot_general3A_137 : vector<512x100xf32>
    %div3A_139 = arith.divf %mul3A_138, %dot_general3A_69 : vector<512x100xf32>
    %iota3A_140 = tpu.iota {dimensions = array<i32: 0>} : vector<100x1000xi32>
    %iota3A_141 = tpu.iota {dimensions = array<i32: 1>} : vector<100x1000xi32>
    %jit3A_142 = arith.constant 10 : i32
    %div3A_143 = vector.broadcast %jit3A_142 : i32 to vector<100x1000xi32>
    %div3A_144 = arith.divsi %iota3A_141, %div3A_143 : vector<100x1000xi32>
    %sign3A_145 = arith.constant 0 : i32
    %sign3A_146 = vector.broadcast %sign3A_145 : i32 to vector<100x1000xi32>
    %sign3A_147 = arith.cmpi sgt, %iota3A_141, %sign3A_146 : vector<100x1000xi32>
    %sign3A_148 = arith.extui %sign3A_147 : vector<100x1000xi1> to vector<100x1000xi32>
    %sign3A_149 = arith.constant 0 : i32
    %sign3A_150 = vector.broadcast %sign3A_149 : i32 to vector<100x1000xi32>
    %sign3A_151 = arith.cmpi slt, %iota3A_141, %sign3A_150 : vector<100x1000xi32>
    %sign3A_152 = arith.extui %sign3A_151 : vector<100x1000xi1> to vector<100x1000xi32>
    %sign3A_153 = arith.subi %sign3A_148, %sign3A_152 : vector<100x1000xi32>
    %sign3A_154 = arith.constant 0 : i32
    %sign3A_155 = arith.cmpi sgt, %jit3A_142, %sign3A_154 : i32
    %sign3A_156 = arith.extui %sign3A_155 : i1 to i32
    %sign3A_157 = arith.constant 0 : i32
    %sign3A_158 = arith.cmpi slt, %jit3A_142, %sign3A_157 : i32
    %sign3A_159 = arith.extui %sign3A_158 : i1 to i32
    %sign3A_160 = arith.subi %sign3A_156, %sign3A_159 : i32
    %ne3A_161 = vector.broadcast %sign3A_160 : i32 to vector<100x1000xi32>
    %ne3A_162 = arith.cmpi ne, %sign3A_153, %ne3A_161 : vector<100x1000xi32>
    %rem3A_163 = vector.broadcast %jit3A_142 : i32 to vector<100x1000xi32>
    %rem3A_164 = arith.remsi %iota3A_141, %rem3A_163 : vector<100x1000xi32>
    %ne3A_165 = arith.constant 0 : i32
    %ne3A_166 = vector.broadcast %ne3A_165 : i32 to vector<100x1000xi32>
    %ne3A_167 = arith.cmpi ne, %rem3A_164, %ne3A_166 : vector<100x1000xi32>
    %and3A_168 = arith.andi %ne3A_162, %ne3A_167 : vector<100x1000xi1>
    %sub3A_169 = arith.constant 1 : i32
    %sub3A_170 = vector.broadcast %sub3A_169 : i32 to vector<100x1000xi32>
    %sub3A_171 = arith.subi %div3A_144, %sub3A_170 : vector<100x1000xi32>
    %select_n3A_172 = arith.select %and3A_168, %sub3A_171, %div3A_144 : vector<100x1000xi1>, vector<100x1000xi32>
    %eq3A_173 = arith.cmpi eq, %select_n3A_172, %iota3A_140 : vector<100x1000xi32>
    %jit3A_174 = arith.constant 1.000000e+00 : f32
    %jit3A_175 = arith.constant 0.000000e+00 : f32
    %broadcast_in_dim3A_176 = vector.broadcast %jit3A_174 : f32 to vector<100x1000xf32>
    %broadcast_in_dim3A_177 = vector.broadcast %jit3A_175 : f32 to vector<100x1000xf32>
    %select_n3A_178 = arith.select %eq3A_173, %broadcast_in_dim3A_176, %broadcast_in_dim3A_177 : vector<100x1000xi1>, vector<100x1000xf32>
    %dot_general3A_179 = arith.constant dense<0.000000e+00> : vector<512x1000xf32>
    %dot_general3A_180 = tpu.matmul %div3A_139, %select_n3A_178, %dot_general3A_179 {dimension_numbers = #tpu.dot_dimension_numbers<[1], [0], [0], [1], [0, 0, 1, 1], [], []>, transpose_lhs_hint = false} : vector<512x100xf32>, vector<100x1000xf32>, vector<512x1000xf32> -> vector<512x1000xf32>
    %mul3A_181 = arith.mulf %exp3A, %dot_general3A_180 : vector<512x1000xf32>
    %swap3A = arith.constant 0 : index
    %swap3A_182 = arith.constant 0 : index
    %swap3A_183 = vector.load %arg2[%swap3A, %swap3A_182] : memref<512x1000xf32, #tpu.memory_space<vmem>>, vector<512x1000xf32>
    tpu.vector_store %arg2[%swap3A, %swap3A_182], %mul3A_181 {strides = array<i32>} : memref<512x1000xf32, #tpu.memory_space<vmem>>, vector<512x1000xf32>,
    return
  }
  func.func @transform_0(%arg0: i32) -> (i32, i32) {
    %c0_i32 = arith.constant 0 : i32
    %c0_i32_0 = arith.constant 0 : i32
    return %arg0, %c0_i32 : i32, i32
  }
  func.func @transform_1(%arg0: i32) -> (i32, i32) {
    %c0_i32 = arith.constant 0 : i32
    %c0_i32_0 = arith.constant 0 : i32
    return %arg0, %c0_i32 : i32, i32
  }
}

</mosaic_0001>

<sc_bundles>
// kernel: kernel.4.cloned.1.call-start
scs
__scs_entry_jumppad:
0x0: {  	(pc) =	sbr.rel $0x88, $3  }
0x1: {  	(tag) =	ssettag $0x0;
	lr =	simm.s32 $0x1  }
0x2: {  	[smem:$0x3FA0] =	sst lr;
	_ =	strace $0xD0000000  }
0x3: {  	_ = 	snop  }
0x4: {  	_ = 	snop  }
0x5: {  	_ = 	snop  }
0x6: {  	_ = 	snop  }
0x7: {  	_ = 	snop  }
__scs_overlays_trampoline_lowered:
0x8: {  	[smem:$0x3FAF] =	sst s0  }
0x9: {  	[smem:$0x3FB0] =	sst s1  }
0xa: {  	[smem:$0x3FB1] =	sst s2  }
0xb: {  	[smem:$0x3FB2] =	sst s3  }
0xc: {  	[smem:$0x3FB3] =	sst s4  }
0xd: {  	[smem:$0x3FB4] =	sst s5  }
0xe: {  	[smem:$0x3FB5] =	sst s6  }
0xf: {  	[smem:$0x3FB6] =	sst s7  }
0x10: {  	[smem:$0x3FB7] =	sst s8  }
0x11: {  	[smem:$0x3FB8] =	sst s9;
	s0 =	simm.s32 @!p0 $0x0  }
0x12: {  	s1 =	sld [smem:$0x3F9E];
	s0 =	simm.s32 @p0 $0x1  }
0x13: {  	[smem:$0x3FB9] =	sst s0;
	s0 =	simm.s32 @!p1 $0x0  }
0x14: {  	s2 =	sld [smem:$0x3F9D];
	s0 =	simm.s32 @p1 $0x1  }
0x15: {  	[smem:$0x3FBA] =	sst s0;
	s0 =	simm.s32 @!p2 $0x0  }
0x16: {  	s3 =	sld [smem:$0x3FDB];
	s0 =	simm.s32 @p2 $0x1  }
0x17: {  	s4 =	simm.s32 $0x1BF5;
	[smem:$0x3FBC] =	sst s0  }
0x18: {  	s0 =	sld [smem:$0x3F9F];
	_ =	swait.ge [sflag:s4], $0x0  }
0x19: {  	s7 =	sld [smem:$0x3FA0]  }
0x1a: {  	s8 =	sadd.s32 $0xFFFFE003, lr  }
0x1b: {  	s9 =	sadd.s32 $0xFFFFFEF7, lr;
	s5 =	simm.s32 $0xFFFFFFFF;
	p2 =	slt.u32 s8, $0xFFFFF086  }
0x1c: {  	p1 =	slt.u32 s9, $0xF7A;
	s5 =	simm.s32 @!p2 $0x0  }
0x1d: {  	s5 =	simm.s32 @p1 $0x1;
	p0 =	seq.s32 s7, s2  }
0x1e: {  	s7 =	smul.u32 @!p0 $0xF7A, s2;
	p2 =	seq.s32 @!p0 s5, $0x0  }
0x1f: {  	s9 =	smul.u32 $0xF7A, s1;
	s8 =	simm.s32 @!p0 $0x1BF5;
	p2 =	por !p2, p0  }
0x20: {  	[sflag:s8] =	ssyncset.s32 @!p0 $0xFFFFF086;
	s6 =	sadd.s32 @!p0 s3, s7;
	s7 =	simm.s32 @!p0 $0x108  }
0x21: {  	s3 =	sadd.s32 s3, s9;
	s6 =	sadd.s32 @!p0 $0x88, s6;
	s7 =	simm.s32 @p2 $0x1082  }
0x22: {  	[simem:s7], [sflag:s8] =	dma.local @!p0 [hbm:s6], $0xF7A  }
0x23: {  	s9 =	sor.u32 $0xD0000000, s2;
	s6 =	simm.s32 $0x108;
	_ =	swait.ge @!p0 [sflag:s8], $0x0  }
0x24: {  	s3 =	sadd.s32 $0x88, s3;
	s6 =	simm.s32 @!p1 $0x1082;
	[sflag:s4] =	ssyncset.s32 $0xFFFFF086  }
0x25: {  	[simem:s6], [sflag:s4] =	dma.local [hbm:s3], $0xF7A  }
0x26: {  	[smem:$0x3FA0] =	sst s1;
	(tag) =	ssettag s2;
	_ =	strace s9  }
0x27: {  	s1 =	sld [smem:$0x3FB0]  }
0x28: {  	s2 =	sld [smem:$0x3FB1]  }
0x29: {  	s4 =	sld [smem:$0x3FB3]  }
0x2a: {  	p0 =	seq.s32 s5, $0x0;
	s5 =	sld [smem:$0x3FB4]  }
0x2b: {  	s6 =	sld [smem:$0x3FB5]  }
0x2c: {  	s7 =	sld [smem:$0x3FB6]  }
0x2d: {  	s3 =	simm.s32 $0x108;
	s8 =	sld [smem:$0x3FB7]  }
0x2e: {  	s3 =	simm.s32 @!p0 $0x1082;
	s9 =	sld [smem:$0x3FB8]  }
0x2f: {  	lr =	sadd.s32 s0, s3;
	s0 =	sld [smem:$0x3FAF]  }
0x30: {  	s3 =	sld [smem:$0x3FB2]  }
0x31: {  	[smem:$0x3FBB] =	sst s10  }
0x32: {  	s10 =	sld [smem:$0x3FB9];
	_ =	sdelay $0x3  }
0x33: {  	p0 =	seq.s32 s10, $0x1;
	s10 =	sld [smem:$0x3FBB];
	_ =	sdelay $0x3  }
0x34: {  	[smem:$0x3FBB] =	sst s10  }
0x35: {  	s10 =	sld [smem:$0x3FBA];
	_ =	sdelay $0x3  }
0x36: {  	p1 =	seq.s32 s10, $0x1;
	s10 =	sld [smem:$0x3FBB];
	_ =	sdelay $0x3  }
0x37: {  	[smem:$0x3FBB] =	sst s10  }
0x38: {  	s10 =	sld [smem:$0x3FBC]  }
0x39: {  	_ = 	snop;
	(pc) =	sbr.ind lr, $3  }
0x3a: {  	_ = 	snop  }
0x3b: {  	_ = 	snop  }
0x3c: {  	p2 =	seq.s32 s10, $0x1;
	s10 =	sld [smem:$0x3FBB]  }
0x3d: {  	_ =	shalt  }
0x3e: {  	_ =	shalt  }
0x3f: {  	_ =	shalt  }
0x40: {  	_ =	shalt  }
0x41: {  	_ =	shalt  }
0x42: {  	_ =	shalt  }
0x43: {  	_ =	shalt  }
0x44: {  	_ =	shalt  }
0x45: {  	_ =	shalt  }
0x46: {  	_ =	shalt  }
0x47: {  	_ =	shalt  }
0x48: {  	_ =	shalt  }
0x49: {  	_ =	shalt  }
0x4a: {  	_ =	shalt  }
0x4b: {  	_ =	shalt  }
0x4c: {  	_ =	shalt  }
0x4d: {  	_ =	shalt  }
0x4e: {  	_ =	shalt  }
0x4f: {  	_ =	shalt  }
0x50: {  	_ =	shalt  }
0x51: {  	_ =	shalt  }
0x52: {  	_ =	shalt  }
0x53: {  	_ =	shalt  }
0x54: {  	_ =	shalt  }
0x55: {  	_ =	shalt  }
0x56: {  	_ =	shalt  }
0x57: {  	_ =	shalt  }
0x58: {  	_ =	shalt  }
0x59: {  	_ =	shalt  }
0x5a: {  	_ =	shalt  }
0x5b: {  	_ =	shalt  }
0x5c: {  	_ =	shalt  }
0x5d: {  	_ =	shalt  }
0x5e: {  	_ =	shalt  }
0x5f: {  	_ =	shalt  }
0x60: {  	_ =	shalt  }
0x61: {  	_ =	shalt  }
0x62: {  	_ =	shalt  }
0x63: {  	_ =	shalt  }
0x64: {  	_ =	shalt  }
0x65: {  	_ =	shalt  }
0x66: {  	_ =	shalt  }
0x67: {  	_ =	shalt  }
0x68: {  	_ =	shalt  }
0x69: {  	_ =	shalt  }
0x6a: {  	_ =	shalt  }
0x6b: {  	_ =	shalt  }
0x6c: {  	_ =	shalt  }
0x6d: {  	_ =	shalt  }
0x6e: {  	_ =	shalt  }
0x6f: {  	_ =	shalt  }
0x70: {  	_ =	shalt  }
0x71: {  	_ =	shalt  }
0x72: {  	_ =	shalt  }
0x73: {  	_ =	shalt  }
0x74: {  	_ =	shalt  }
0x75: {  	_ =	shalt  }
0x76: {  	_ =	shalt  }
0x77: {  	_ =	shalt  }
0x78: {  	_ =	shalt  }
0x79: {  	_ =	shalt  }
0x7a: {  	_ =	shalt  }
0x7b: {  	_ =	shalt  }
0x7c: {  	_ =	shalt  }
0x7d: {  	_ =	shalt  }
0x7e: {  	_ =	shalt  }
0x7f: {  	_ =	shalt  }
0x80: {  	_ =	shalt  }
0x81: {  	_ =	shalt  }
0x82: {  	_ =	shalt  }
0x83: {  	_ =	shalt  }
0x84: {  	_ =	shalt  }
0x85: {  	_ =	shalt  }
0x86: {  	_ =	shalt  }
0x87: {  	_ =	shalt  }
.Lfunc_end0:
.L_simem_size_0:
called_computation_lowered:
.L_overlay_start_0:
0x88: {  	s2 =	sld [smem:$0x3FD9]  }
0x89: {  	s3 =	sld [smem:$0x3FFE];
	_ =	sdelay $0x1  }
0x8a: {  	s1 =	srdreg.scid  }
0x8b: {  	s0 =	sand.u32 $0x1, s1  }
0x8c: {  	s17 =	sshll.u32 s0, $0xA;
	s2 =	sadd.s32 s3, s2  }
0x8d: {  	s2 =	sadd.s32 s2, s17  }
0x8e: {  	[smem:$0x3FC7] =	sst s2  }
0x8f: {  	_ = 	snop  }
0x90: {  	s2 =	sld [smem:$0x3FD0];
	(tm) =	ssettm $0x1  }
0x91: {  	s18 =	sld [smem:$0x3FFB];
	_ =	sdelay $0x3  }
0x92: {  	_ =	strace s18  }
0x93: {  	s3 =	sld [smem:$0x3FFC];
	_ =	sdelay $0x3  }
0x94: {  	_ =	strace s3  }
0x95: {  	s3 =	sld [smem:$0x3FFD];
	_ =	sdelay $0x3  }
0x96: {  	_ =	strace s3  }
0x97: {  	_ =	strace $0x8FFFFFFF  }
0x98: {  	s19 =	sld [smem:$0x3FDB];
	_ =	sdelay $0x1  }
0x99: {  	s4 =	simm.s32 $_scs_section_size  }
0x9a: {  	s5 =	simm.s32 $_size__tile_overlayer_lowered;
	s6 =	simm.s32 $_tile_overlayer_lowered  }
0x9b: {  	s22 =	simm.s32 $0x1BFF;
	s21 =	sshll.u32 s6, $0x1;
	s3 =	sadd.s32 s4, s19  }
0x9c: {  	s7 =	simm.s32 $0x0;
	s20 =	sshll.u32 s5, $0x1;
	s5 =	sadd.s32 s21, s3  }
0x9d: {  	[timem:s7], [sflag:s22] =	dma.local [hbm:s5], s20  }
0x9e: {  	_ =	swait.ge [sflag:s22], s20  }
0x9f: {  	s4 =	ssub.s32 $0x0, s20;
	[sflag:s22] =	ssyncset.done $0x0  }
0xa0: {  	[sflag:s22] =	ssyncadd.s32 s4;
	_ =	sdelay $0x1  }
0xa1: {  	s23 =	simm.s32 $0x1B8B  }
0xa2: {  	_ =	swait.ge [sflag:s23], $0x1  }
0xa3: {  	[sflag:s23] =	ssyncset.done $0x0  }
0xa4: {  	s25 =	simm.s32 $0x1B8E;
	s24 =	sld [smem:$0x3FFE];
	[sflag:s23] =	ssyncadd.s32 $0xFFFFFFFF  }
0xa5: {  	s26 =	simm.s32 $execute0_lowered;
	[smem:$0x3FD2] =	sst s25  }
0xa6: {  	s5 =	sshll.u32 s26, $0x1;
	_ =	strace $0x80000046;
	[dreg:$0x1] =	wrdreg $0xFFFFFFFF  }
0xa7: {  	s28 =	simm.s32 $_size_execute0_lowered;
	s3 =	sadd.s32 s3, s5;
	[dreg:$0x0] =	wrdreg $0x0  }
0xa8: {  	s5 =	sshll.u32 s28, $0x1;
	[dreg:$0x2] =	wrdreg s3  }
0xa9: {  	[dreg:$0x3] =	wrdreg s5  }
0xaa: {  	[dreg:$0x4] =	wrdreg $0xC0  }
0xab: {  	_ =	task [dreg:s7], $0x5FFFF  }
0xac: {  	[dreg:$0x1] =	wrdreg $0xFFFFFFFF  }
0xad: {  	[dreg:$0x0] =	wrdreg $0x60  }
0xae: {  	[dreg:$0x2] =	wrdreg s2  }
0xaf: {  	[dreg:$0x3] =	wrdreg s24  }
0xb0: {  	[dreg:$0x4] =	wrdreg $0x9  }
0xb1: {  	_ =	task.clear_ibuf [dreg:s7], $0x5FFFF;
	_ =	strace $0x90000046  }
0xb2: {  	s29 =	simm.s32 $0x9;
	_ =	strace $0x80000048  }
0xb3: {  	_ =	swait.ge [sflag:s29], $0x1  }
0xb4: {  	[sflag:s29] =	ssyncadd.s32 $0xFFFFFFFF  }
0xb5: {  	_ =	strace $0x90000048  }
0xb6: {  	_ =	sfence  }
0xb7: {  	s30 =	sld [smem:$0x0];
	_ =	sdelay $0x2  }
0xb8: {  	s31 =	sshll.u32 s1, $0xD;
	s1 =	sshrl.u32 s1, $0x2  }
0xb9: {  	s3 =	sand.u32 $0x4000, s31;
	s1 =	sadd.s32 s1, s30  }
0xba: {  	s0 =	sor.u32 s3, s0;
	s1 =	sshll.u32 s1, $0x11  }
0xbb: {  	s0 =	sor.u32 s1, s0  }
0xbc: {  	s0 =	sadd.s32 $0x8F2B, s0  }
0xbd: {  	[sflag:s0] =	ssyncadd.remote.s32 $0x1  }
0xbe: {  	_ =	sfence.sel $0xFFFF  }
0xbf: {  	[dreg:$0x0] =	wrdreg $0xFFFFFFFF;
	(pc) =	sbr.abs _section_cstart, $3  }
0xc0: {  	[dreg:$0x1] =	wrdreg $0xFFFFFFFF  }
0xc1: {  	_ =	task.clear_ibuf [dreg:s7], $0x2FFFF;
	_ =	strace $0x9FFFFFFF  }
0xc2: {  	(tm) =	ssettm $0x7FFFFFFF  }
0xc3: {  	_ =	shalt  }
tec
execute0_lowered:
.L_overlay_start_1:
0x0: {  	(tag) =	ssettag $0x1  }
0x1: {  	s1 =	srdreg.scid;
	s4 =	rddreg [dreg:$0x0]  }
0x2: {  	s0 =	stileid.u32;
	s5 =	rddreg [dreg:$0x1]  }
0x3: {  	s8 =	simm.s32 $0xBB80;
	s9 =	simm.s32 $0xC200;
	s3 =	sand.u32 $0x1, s1  }
0x4: {  	s10 =	simm.s32 $0xC880;
	s30 =	sshll.u32 s0, $0x5;
	s2 =	sshll.u32 s3, $0x4  }
0x5: {  	s11 =	simm.s32 $0xC980;
	s12 =	simm.s32 $0x7D00;
	s6 =	sor.u32 s2, s30  }
0x6: {  	s13 =	simm.s32 $0x0;
	s1 =	rddreg [dreg:$0x2];
	s7 =	smul.u32 $0x3E8, s6  }
0x7: {  	s3 =	ssub.s32 $0x2, s3;
	s2 =	simm.s32 $0x0;
	s6 =	smul.u32 $0x7D, s6  }
0x8: {  	s31 =	sshrl.u32 s3, $0x1;
	[smem:$0x7FF] =	sst s2;
	s7 =	sshrl.u32 s7, $0x3  }
0x9: {  	_ =	strace $0x80000047;
	s5 =	sadd.s32 s6, s5;
	s4 =	sadd.s32 s4, s7  }
0xa: {  	v2 =	vlaneseq.u32;
	s6 =	ssub.s32 s3, s31;
	s7 =	simm.s32 $0x3E80;
	s3 =	sadd.s32 $0x6D600, s4  }
0xb: {  	v0 =	vmul.u32 $0x3E8, v2;
	v1 =	vmul.u32 $0x68, v2;
	v2 =	vmul.u32 $0x10, v2;
	s4 =	sadd.s32 $0x80600, s5;
	s5 =	smax.u32 s6, $0x1;
	s6 =	simm.s32 $0x1  }
.LBB2_1:
0xc: {  	[tilespmem:s2], [sflag:$0x1] =	stream.linear.gather [hbm4b:s3+s2], $0x3E80, $0x38;
	[tilespmem:$0xCA80] =	vst v63  }
0xd: {  	_ =	swait.ge [sflag:s6], $0x3E80  }
0xe: {  	s14 =	simm.s32 $0x0;
	[sflag:s6] =	ssyncset.done $0x0  }
0xf: {  	v4 =	vimm.f32 $0.0e+00;
	s15 =	simm.s32 $0x0;
	v3 =	vimm.f32 $0.0e+00;
	s16 =	simm.s32 $0x0;
	[sflag:s6] =	ssyncadd.s32 $0xFFFFC180  }
.LBB2_2:
0x10: {  	s17 =	sadd.s32 $0x0, s14  }
0x11: {  	v5 =	vmov s17  }
0x12: {  	v5 =	vand.u32 $0x1FFE, v5  }
0x13: {  	v5 =	vadd.s32 v0, v5;
	_ =	sdelay $0x4  }
0x14: {  	v6 =	vld.idx.msk [tilespmem:v5+s2+$0x0], $0xffff;
	_ =	sdelay $0x4  }
0x15: {  	v7 =	vmul.f32 $1.442695020e+00, v6;
	_ =	sdelay $0x1  }
0x16: {  	(erf) = vpow2.f32 v7;
	_ =	sdelay $0x2  }
0x17: {  	s18 =	sadd.s32 $0x1, s17  }
0x18: {  	v7 =	vmov s18  }
0x19: {  	v7 =	vand.u32 $0x7FFFFFFF, v7  }
0x1a: {  	v7 =	vadd.s32 v0, v7;
	_ =	sdelay $0x2  }
0x1b: {  	v8 =	vpop (erf)  }
0x1c: {  	[tilespmem:v5+s7+$0x0] =	vst.idx.msk $0xffff, v8  }
0x1d: {  	v5 =	vld.idx.msk [tilespmem:v7+s2+$0x0], $0xffff;
	_ =	sdelay $0x4  }
0x1e: {  	v9 =	vmul.f32 $1.442695020e+00, v5;
	_ =	sdelay $0x1  }
0x1f: {  	(erf) = vpow2.f32 v9;
	_ =	sdelay $0x2  }
0x20: {  	s20 =	sadd.s32 $0x2, s17  }
0x21: {  	v9 =	vmov s20  }
0x22: {  	v9 =	vand.u32 $0x7FFFFFFE, v9  }
0x23: {  	v9 =	vadd.s32 v0, v9;
	_ =	sdelay $0x2  }
0x24: {  	v10 =	vpop (erf)  }
0x25: {  	[tilespmem:v7+s7+$0x0] =	vst.idx.msk $0xffff, v10  }
0x26: {  	v7 =	vld.idx.msk [tilespmem:v9+s2+$0x0], $0xffff;
	_ =	sdelay $0x4  }
0x27: {  	v11 =	vmul.f32 $1.442695020e+00, v7;
	_ =	sdelay $0x1  }
0x28: {  	(erf) = vpow2.f32 v11;
	_ =	sdelay $0x2  }
0x29: {  	s21 =	sadd.s32 $0x3, s17  }
0x2a: {  	v11 =	vmov s21  }
0x2b: {  	v11 =	vand.u32 $0x7FFFFFFF, v11  }
0x2c: {  	v11 =	vadd.s32 v0, v11;
	_ =	sdelay $0x2  }
0x2d: {  	v12 =	vpop (erf)  }
0x2e: {  	[tilespmem:v9+s7+$0x0] =	vst.idx.msk $0xffff, v12  }
0x2f: {  	v9 =	vld.idx.msk [tilespmem:v11+s2+$0x0], $0xffff;
	_ =	sdelay $0x4  }
0x30: {  	v13 =	vmul.f32 $1.442695020e+00, v9;
	_ =	sdelay $0x1  }
0x31: {  	(erf) = vpow2.f32 v13;
	_ =	sdelay $0x2  }
0x32: {  	s22 =	sadd.s32 $0x4, s17  }
0x33: {  	v13 =	vmov s22  }
0x34: {  	v13 =	vand.u32 $0x7FFFFFFE, v13  }
0x35: {  	v13 =	vadd.s32 v0, v13;
	_ =	sdelay $0x2  }
0x36: {  	v14 =	vpop (erf)  }
0x37: {  	[tilespmem:v11+s7+$0x0] =	vst.idx.msk $0xffff, v14  }
0x38: {  	v11 =	vld.idx.msk [tilespmem:v13+s2+$0x0], $0xffff;
	_ =	sdelay $0x4  }
0x39: {  	v15 =	vmul.f32 $1.442695020e+00, v11;
	_ =	sdelay $0x1  }
0x3a: {  	(erf) = vpow2.f32 v15;
	_ =	sdelay $0x2  }
0x3b: {  	s23 =	sadd.s32 $0x5, s17  }
0x3c: {  	v15 =	vmov s23  }
0x3d: {  	v15 =	vand.u32 $0x7FFFFFFF, v15  }
0x3e: {  	v15 =	vadd.s32 v0, v15;
	_ =	sdelay $0x2  }
0x3f: {  	v16 =	vpop (erf)  }
0x40: {  	[tilespmem:v13+s7+$0x0] =	vst.idx.msk $0xffff, v16  }
0x41: {  	v13 =	vld.idx.msk [tilespmem:v15+s2+$0x0], $0xffff;
	_ =	sdelay $0x4  }
0x42: {  	v17 =	vmul.f32 $1.442695020e+00, v13;
	_ =	sdelay $0x1  }
0x43: {  	(erf) = vpow2.f32 v17;
	_ =	sdelay $0x2  }
0x44: {  	s24 =	sadd.s32 $0x6, s17  }
0x45: {  	v17 =	vmov s24  }
0x46: {  	v17 =	vand.u32 $0x7FFFFFFE, v17  }
0x47: {  	v17 =	vadd.s32 v0, v17;
	_ =	sdelay $0x2  }
0x48: {  	v18 =	vpop (erf)  }
0x49: {  	[tilespmem:v15+s7+$0x0] =	vst.idx.msk $0xffff, v18  }
0x4a: {  	v15 =	vld.idx.msk [tilespmem:v17+s2+$0x0], $0xffff;
	_ =	sdelay $0x4  }
0x4b: {  	v19 =	vmul.f32 $1.442695020e+00, v15;
	_ =	sdelay $0x1  }
0x4c: {  	(erf) = vpow2.f32 v19;
	_ =	sdelay $0x2  }
0x4d: {  	s25 =	sadd.s32 $0x7, s17  }
0x4e: {  	v19 =	vmov s25  }
0x4f: {  	v19 =	vand.u32 $0x7FFFFFFF, v19  }
0x50: {  	v19 =	vadd.s32 v0, v19;
	_ =	sdelay $0x2  }
0x51: {  	v20 =	vpop (erf)  }
0x52: {  	[tilespmem:v17+s7+$0x0] =	vst.idx.msk $0xffff, v20  }
0x53: {  	v17 =	vld.idx.msk [tilespmem:v19+s2+$0x0], $0xffff;
	_ =	sdelay $0x4  }
0x54: {  	v21 =	vmul.f32 $1.442695020e+00, v17;
	_ =	sdelay $0x1  }
0x55: {  	(erf) = vpow2.f32 v21;
	_ =	sdelay $0x2  }
0x56: {  	s26 =	sadd.s32 $0x8, s17  }
0x57: {  	v63 =	vmov s26  }
0x58: {  	v21 =	vand.u32 $0x7FFFFFFE, v63  }
0x59: {  	v21 =	vadd.s32 v0, v21;
	_ =	sdelay $0x2  }
0x5a: {  	v22 =	vpop (erf)  }
0x5b: {  	[tilespmem:v19+s7+$0x0] =	vst.idx.msk $0xffff, v22  }
0x5c: {  	v19 =	vld.idx.msk [tilespmem:v21+s2+$0x0], $0xffff;
	_ =	sdelay $0x4  }
0x5d: {  	v6 =	vadd.f32 $0.0e+00, v6;
	v23 =	vmul.f32 $1.442695020e+00, v19;
	_ =	sdelay $0x1  }
0x5e: {  	v5 =	vadd.f32 v5, v6;
	(erf) = vpow2.f32 v23;
	_ =	sdelay $0x1  }
0x5f: {  	v5 =	vadd.f32 v7, v5  }
0x60: {  	s17 =	sadd.s32 $0x9, s17  }
0x61: {  	v6 =	vmov s17;
	v5 =	vadd.f32 v9, v5  }
0x62: {  	v6 =	vand.u32 $0x7FFFFFFF, v6  }
0x63: {  	v6 =	vadd.s32 v0, v6;
	v5 =	vadd.f32 v11, v5;
	_ =	sdelay $0x1  }
0x64: {  	v5 =	vadd.f32 v13, v5  }
0x65: {  	v7 =	vpop (erf)  }
0x66: {  	v5 =	vadd.f32 v15, v5;
	[tilespmem:v21+s7+$0x0] =	vst.idx.msk $0xffff, v7  }
0x67: {  	v8 =	vadd.f32 $0.0e+00, v8;
	v9 =	vld.idx.msk [tilespmem:v6+s2+$0x0], $0xffff  }
0x68: {  	v5 =	vadd.f32 v17, v5  }
0x69: {  	v8 =	vadd.f32 v10, v8  }
0x6a: {  	v5 =	vadd.f32 v19, v5  }
0x6b: {  	v8 =	vadd.f32 v12, v8  }
0x6c: {  	v5 =	vadd.f32 v9, v5  }
0x6d: {  	v8 =	vadd.f32 v14, v8;
	v10 =	vmul.f32 $1.442695020e+00, v9  }
0x6e: {  	v5 =	vmul.f32 $1.000000010e-01, v5  }
0x6f: {  	v8 =	vadd.f32 v16, v8;
	(erf) = vpow2.f32 v10  }
0x70: {  	v9 =	vmul.f32 $1.442695020e+00, v5  }
0x71: {  	v8 =	vadd.f32 v18, v8  }
0x72: {  	s28 =	sadd.s32 $0xA, s14;
	(erf) = vpow2.f32 v9  }
0x73: {  	s19 =	sadd.s32 $0x2, s28;
	v8 =	vadd.f32 v20, v8  }
0x74: {  	v11 =	vmov s19;
	v9 =	vmov s15  }
0x75: {  	s31 =	sadd.s32 $0x4, s28;
	v13 =	vand.u32 $0x7FFFFFFE, v11;
	v8 =	vadd.f32 v22, v8;
	v9 =	vand.u32 $0x1FF, v9  }
0x76: {  	v11 =	vmov s31;
	v10 =	vmov s28;
	v9 =	vadd.s32 v1, v9  }
0x77: {  	s30 =	sadd.s32 $0x3, s28;
	s21 =	sadd.s32 $0x6, s28;
	v18 =	vand.u32 $0x7FFFFFFE, v11;
	v7 =	vadd.f32 v7, v8;
	v8 =	vand.u32 $0x1FFE, v10  }
0x78: {  	s29 =	sadd.s32 $0x1, s28;
	s20 =	sadd.s32 $0x5, s28;
	v11 =	vmov s21;
	v14 =	vadd.s32 v0, v8;
	v8 =	vmov s30;
	v12 =	vpop (erf)  }
0x79: {  	v15 =	vmov s20;
	v10 =	vmov s29;
	v7 =	vadd.f32 v12, v7  }
0x7a: {  	s18 =	simm.s32 $0x14;
	s22 =	sadd.s32 $0x7, s28;
	v15 =	vand.u32 $0x7FFFFFFF, v15;
	v5 =	vadd.f32 v5, v4;
	v10 =	vand.u32 $0x7FFFFFFF, v10;
	[tilespmem:v6+s7+$0x0] =	vst.idx.msk $0xffff, v12  }
0x7b: {  	s17 =	smov.u32 s15;
	s19 =	sadd.s32 $0x9, s28;
	s20 =	sadd.s32 $0x8, s28;
	v16 =	vand.u32 $0x7FFFFFFF, v8;
	v6 =	vimm.f32 $0.0e+00;
	[tilespmem:v9+s8+$0x0] =	vst.idx.msk $0xffff, v7;
	v7 =	vmov s22;
	v8 =	vpop (erf)  }
.LBB2_3:
0x7c: {  	p0 =	sne.s32 s18, $0x5A  }
0x7d: {  	v12 =	vmov s20;
	v17 =	vmov s19;
	[tilespmem:v9+s9+$0x0] =	vst.idx.msk $0xffff, v8;
	v6 =	vadd.f32 v8, v6;
	s17 =	sadd.s32 $0x1, s17;
	s19 =	smov.u32 s18;
	s18 =	sadd.s32 $0xA, s18  }
0x7e: {  	v9 =	vld.idx.msk [tilespmem:v14+s2+$0x0], $0xffff;
	v12 =	vand.u32 $0x7FFFFFFE, v12;
	v8 =	vand.u32 $0x7FFFFFFF, v17;
	_ =	sdelay $0x5  }
0x7f: {  	v17 =	vmul.f32 $1.442695020e+00, v9;
	_ =	sdelay $0x1  }
0x80: {  	(erf) = vpow2.f32 v17;
	_ =	sdelay $0x5  }
0x81: {  	v17 =	vadd.s32 v0, v10;
	_ =	sdelay $0x2  }
0x82: {  	v10 =	vpop (erf)  }
0x83: {  	[tilespmem:v14+s7+$0x0] =	vst.idx.msk $0xffff, v10  }
0x84: {  	v14 =	vld.idx.msk [tilespmem:v17+s2+$0x0], $0xffff;
	_ =	sdelay $0x5  }
0x85: {  	v19 =	vmul.f32 $1.442695020e+00, v14;
	_ =	sdelay $0x1  }
0x86: {  	(erf) = vpow2.f32 v19;
	_ =	sdelay $0x5  }
0x87: {  	v19 =	vadd.s32 v0, v13;
	_ =	sdelay $0x2  }
0x88: {  	v13 =	vpop (erf)  }
0x89: {  	[tilespmem:v17+s7+$0x0] =	vst.idx.msk $0xffff, v13  }
0x8a: {  	v17 =	vld.idx.msk [tilespmem:v19+s2+$0x0], $0xffff;
	_ =	sdelay $0x5  }
0x8b: {  	v20 =	vmul.f32 $1.442695020e+00, v17;
	_ =	sdelay $0x1  }
0x8c: {  	(erf) = vpow2.f32 v20;
	_ =	sdelay $0x5  }
0x8d: {  	v20 =	vadd.s32 v0, v16;
	_ =	sdelay $0x2  }
0x8e: {  	v16 =	vpop (erf)  }
0x8f: {  	[tilespmem:v19+s7+$0x0] =	vst.idx.msk $0xffff, v16  }
0x90: {  	v19 =	vld.idx.msk [tilespmem:v20+s2+$0x0], $0xffff;
	_ =	sdelay $0x5  }
0x91: {  	v21 =	vmul.f32 $1.442695020e+00, v19;
	_ =	sdelay $0x1  }
0x92: {  	(erf) = vpow2.f32 v21;
	_ =	sdelay $0x5  }
0x93: {  	v21 =	vadd.s32 v0, v18;
	_ =	sdelay $0x2  }
0x94: {  	v18 =	vpop (erf)  }
0x95: {  	[tilespmem:v20+s7+$0x0] =	vst.idx.msk $0xffff, v18  }
0x96: {  	v20 =	vld.idx.msk [tilespmem:v21+s2+$0x0], $0xffff;
	_ =	sdelay $0x5  }
0x97: {  	v22 =	vmul.f32 $1.442695020e+00, v20;
	_ =	sdelay $0x1  }
0x98: {  	(erf) = vpow2.f32 v22;
	_ =	sdelay $0x5  }
0x99: {  	v22 =	vadd.s32 v0, v15;
	_ =	sdelay $0x2  }
0x9a: {  	v15 =	vpop (erf)  }
0x9b: {  	[tilespmem:v21+s7+$0x0] =	vst.idx.msk $0xffff, v15  }
0x9c: {  	v21 =	vld.idx.msk [tilespmem:v22+s2+$0x0], $0xffff;
	_ =	sdelay $0x5  }
0x9d: {  	v23 =	vmul.f32 $1.442695020e+00, v21;
	_ =	sdelay $0x1  }
0x9e: {  	(erf) = vpow2.f32 v23;
	_ =	sdelay $0x4  }
0x9f: {  	v11 =	vand.u32 $0x7FFFFFFE, v11  }
0xa0: {  	v11 =	vadd.s32 v0, v11;
	_ =	sdelay $0x2  }
0xa1: {  	v23 =	vpop (erf)  }
0xa2: {  	[tilespmem:v22+s7+$0x0] =	vst.idx.msk $0xffff, v23  }
0xa3: {  	v22 =	vld.idx.msk [tilespmem:v11+s2+$0x0], $0xffff;
	_ =	sdelay $0x5  }
0xa4: {  	v24 =	vmul.f32 $1.442695020e+00, v22;
	_ =	sdelay $0x1  }
0xa5: {  	(erf) = vpow2.f32 v24;
	_ =	sdelay $0x4  }
0xa6: {  	v7 =	vand.u32 $0x7FFFFFFF, v7  }
0xa7: {  	v7 =	vadd.s32 v0, v7;
	_ =	sdelay $0x2  }
0xa8: {  	v24 =	vpop (erf)  }
0xa9: {  	[tilespmem:v11+s7+$0x0] =	vst.idx.msk $0xffff, v24  }
0xaa: {  	v11 =	vld.idx.msk [tilespmem:v7+s2+$0x0], $0xffff;
	_ =	sdelay $0x5  }
0xab: {  	v25 =	vmul.f32 $1.442695020e+00, v11;
	_ =	sdelay $0x1  }
0xac: {  	(erf) = vpow2.f32 v25;
	_ =	sdelay $0x5  }
0xad: {  	v12 =	vadd.s32 v0, v12;
	_ =	sdelay $0x2  }
0xae: {  	v25 =	vpop (erf)  }
0xaf: {  	[tilespmem:v7+s7+$0x0] =	vst.idx.msk $0xffff, v25  }
0xb0: {  	v7 =	vld.idx.msk [tilespmem:v12+s2+$0x0], $0xffff;
	_ =	sdelay $0x5  }
0xb1: {  	v26 =	vmul.f32 $1.442695020e+00, v7  }
0xb2: {  	v9 =	vadd.f32 $0.0e+00, v9  }
0xb3: {  	(erf) = vpow2.f32 v26  }
0xb4: {  	v9 =	vadd.f32 v14, v9;
	_ =	sdelay $0x1  }
0xb5: {  	v9 =	vadd.f32 v17, v9;
	_ =	sdelay $0x1  }
0xb6: {  	v9 =	vadd.f32 v19, v9  }
0xb7: {  	v8 =	vadd.s32 v0, v8  }
0xb8: {  	v9 =	vadd.f32 v20, v9;
	_ =	sdelay $0x1  }
0xb9: {  	v9 =	vadd.f32 v21, v9;
	v14 =	vpop (erf)  }
0xba: {  	[tilespmem:v12+s7+$0x0] =	vst.idx.msk $0xffff, v14  }
0xbb: {  	v10 =	vadd.f32 $0.0e+00, v10;
	v9 =	vadd.f32 v22, v9;
	v12 =	vld.idx.msk [tilespmem:v8+s2+$0x0], $0xffff;
	_ =	sdelay $0x1  }
0xbc: {  	v10 =	vadd.f32 v13, v10;
	v9 =	vadd.f32 v11, v9;
	_ =	sdelay $0x1  }
0xbd: {  	v10 =	vadd.f32 v16, v10;
	v7 =	vadd.f32 v7, v9;
	_ =	sdelay $0x1  }
0xbe: {  	v9 =	vadd.f32 v18, v10;
	v10 =	vmul.f32 $1.442695020e+00, v12;
	v7 =	vadd.f32 v12, v7;
	_ =	sdelay $0x1  }
0xbf: {  	v9 =	vadd.f32 v15, v9;
	v7 =	vmul.f32 $1.000000010e-01, v7;
	(erf) = vpow2.f32 v10;
	_ =	sdelay $0x1  }
0xc0: {  	v9 =	vadd.f32 v23, v9;
	v10 =	vmul.f32 $1.442695020e+00, v7;
	v5 =	vadd.f32 v7, v5;
	_ =	sdelay $0x1  }
0xc1: {  	v7 =	vadd.f32 v24, v9;
	(erf) = vpow2.f32 v10  }
0xc2: {  	v9 =	vmov s17  }
0xc3: {  	v9 =	vand.u32 $0x1FF, v9;
	v7 =	vadd.f32 v25, v7  }
0xc4: {  	s19 =	sadd.s32 s19, s14;
	v9 =	vadd.s32 v1, v9  }
0xc5: {  	s20 =	sadd.s32 $0x1, s19;
	s21 =	sadd.s32 $0x2, s19;
	s22 =	sadd.s32 $0x3, s19;
	v10 =	vmov s19;
	v7 =	vadd.f32 v14, v7  }
.Ltmp0:
0xc6: {  	s23 =	sadd.s32 $0x5, s19;
	v11 =	vmov s20;
	v12 =	vmov s21;
	s21 =	sadd.s32 $0x4, s19;
	v10 =	vand.u32 $0x1FFE, v10;
	v13 =	vpop (erf);
	(pc) =	sbr.rel @p0 .LBB2_3-.Ltmp0, $4  }
0xc7: {  	s24 =	sadd.s32 $0x6, s19;
	s25 =	sadd.s32 $0x7, s19;
	s20 =	sadd.s32 $0x8, s19;
	v14 =	vadd.s32 v0, v10;
	v10 =	vand.u32 $0x7FFFFFFF, v11;
	[tilespmem:v8+s7+$0x0] =	vst.idx.msk $0xffff, v13;
	v7 =	vadd.f32 v13, v7  }
0xc8: {  	v17 =	vmov s22;
	s19 =	sadd.s32 $0x9, s19;
	v11 =	vmov s21;
	v13 =	vand.u32 $0x7FFFFFFE, v12  }
0xc9: {  	v16 =	vand.u32 $0x7FFFFFFF, v17;
	v18 =	vand.u32 $0x7FFFFFFE, v11;
	v12 =	vmov s23;
	[tilespmem:v9+s8+$0x0] =	vst.idx.msk $0xffff, v7  }
0xca: {  	v11 =	vmov s24;
	v15 =	vand.u32 $0x7FFFFFFF, v12;
	v7 =	vmov s25;
	v8 =	vpop (erf)  }
0xcb: {  	_ =	sdelay $0x3  }
0xcc: {  	[tilespmem:v9+s9+$0x0] =	vst.idx.msk $0xffff, v8  }
0xcd: {  	v9 =	vld.idx.msk [tilespmem:v14+s2+$0x0], $0xffff;
	_ =	sdelay $0x4  }
0xce: {  	v12 =	vmul.f32 $1.442695020e+00, v9;
	_ =	sdelay $0x1  }
0xcf: {  	(erf) = vpow2.f32 v12;
	_ =	sdelay $0x5  }
0xd0: {  	v10 =	vadd.s32 v0, v10;
	_ =	sdelay $0x2  }
0xd1: {  	v12 =	vpop (erf)  }
0xd2: {  	[tilespmem:v14+s7+$0x0] =	vst.idx.msk $0xffff, v12  }
0xd3: {  	v14 =	vld.idx.msk [tilespmem:v10+s2+$0x0], $0xffff;
	_ =	sdelay $0x4  }
0xd4: {  	v17 =	vmul.f32 $1.442695020e+00, v14;
	_ =	sdelay $0x1  }
0xd5: {  	(erf) = vpow2.f32 v17;
	_ =	sdelay $0x5  }
0xd6: {  	v13 =	vadd.s32 v0, v13;
	_ =	sdelay $0x2  }
0xd7: {  	v17 =	vpop (erf)  }
0xd8: {  	[tilespmem:v10+s7+$0x0] =	vst.idx.msk $0xffff, v17  }
0xd9: {  	v10 =	vld.idx.msk [tilespmem:v13+s2+$0x0], $0xffff;
	_ =	sdelay $0x4  }
0xda: {  	v19 =	vmul.f32 $1.442695020e+00, v10;
	_ =	sdelay $0x1  }
0xdb: {  	(erf) = vpow2.f32 v19;
	_ =	sdelay $0x5  }
0xdc: {  	v16 =	vadd.s32 v0, v16;
	_ =	sdelay $0x2  }
0xdd: {  	v19 =	vpop (erf)  }
0xde: {  	[tilespmem:v13+s7+$0x0] =	vst.idx.msk $0xffff, v19  }
0xdf: {  	v13 =	vld.idx.msk [tilespmem:v16+s2+$0x0], $0xffff;
	_ =	sdelay $0x4  }
0xe0: {  	v20 =	vmul.f32 $1.442695020e+00, v13;
	_ =	sdelay $0x1  }
0xe1: {  	(erf) = vpow2.f32 v20;
	_ =	sdelay $0x5  }
0xe2: {  	v18 =	vadd.s32 v0, v18;
	_ =	sdelay $0x2  }
0xe3: {  	v20 =	vpop (erf)  }
0xe4: {  	[tilespmem:v16+s7+$0x0] =	vst.idx.msk $0xffff, v20  }
0xe5: {  	v16 =	vld.idx.msk [tilespmem:v18+s2+$0x0], $0xffff;
	_ =	sdelay $0x4  }
0xe6: {  	v21 =	vmul.f32 $1.442695020e+00, v16;
	_ =	sdelay $0x1  }
0xe7: {  	(erf) = vpow2.f32 v21;
	_ =	sdelay $0x5  }
0xe8: {  	v15 =	vadd.s32 v0, v15;
	_ =	sdelay $0x2  }
0xe9: {  	v21 =	vpop (erf)  }
0xea: {  	[tilespmem:v18+s7+$0x0] =	vst.idx.msk $0xffff, v21  }
0xeb: {  	v18 =	vld.idx.msk [tilespmem:v15+s2+$0x0], $0xffff;
	_ =	sdelay $0x4  }
0xec: {  	v22 =	vmul.f32 $1.442695020e+00, v18;
	_ =	sdelay $0x1  }
0xed: {  	(erf) = vpow2.f32 v22;
	_ =	sdelay $0x4  }
0xee: {  	v11 =	vand.u32 $0x7FFFFFFE, v11  }
0xef: {  	v11 =	vadd.s32 v0, v11;
	_ =	sdelay $0x2  }
0xf0: {  	v22 =	vpop (erf)  }
0xf1: {  	[tilespmem:v15+s7+$0x0] =	vst.idx.msk $0xffff, v22  }
0xf2: {  	v15 =	vld.idx.msk [tilespmem:v11+s2+$0x0], $0xffff;
	_ =	sdelay $0x4  }
0xf3: {  	v23 =	vmul.f32 $1.442695020e+00, v15;
	_ =	sdelay $0x1  }
0xf4: {  	(erf) = vpow2.f32 v23;
	_ =	sdelay $0x4  }
0xf5: {  	v7 =	vand.u32 $0x7FFFFFFF, v7  }
0xf6: {  	v7 =	vadd.s32 v0, v7;
	_ =	sdelay $0x2  }
0xf7: {  	v23 =	vpop (erf)  }
0xf8: {  	[tilespmem:v11+s7+$0x0] =	vst.idx.msk $0xffff, v23  }
0xf9: {  	v11 =	vld.idx.msk [tilespmem:v7+s2+$0x0], $0xffff;
	_ =	sdelay $0x4  }
0xfa: {  	v24 =	vmul.f32 $1.442695020e+00, v11;
	_ =	sdelay $0x1  }
0xfb: {  	(erf) = vpow2.f32 v24;
	_ =	sdelay $0x3  }
0xfc: {  	v55 =	vmov s20  }
0xfd: {  	v24 =	vand.u32 $0x7FFFFFFE, v55  }
0xfe: {  	v24 =	vadd.s32 v0, v24;
	_ =	sdelay $0x2  }
0xff: {  	v25 =	vpop (erf)  }
0x100: {  	[tilespmem:v7+s7+$0x0] =	vst.idx.msk $0xffff, v25  }
0x101: {  	v7 =	vld.idx.msk [tilespmem:v24+s2+$0x0], $0xffff;
	_ =	sdelay $0x4  }
0x102: {  	v9 =	vadd.f32 $0.0e+00, v9;
	v26 =	vmul.f32 $1.442695020e+00, v7;
	_ =	sdelay $0x1  }
0x103: {  	v9 =	vadd.f32 v14, v9;
	(erf) = vpow2.f32 v26;
	_ =	sdelay $0x1  }
0x104: {  	v9 =	vadd.f32 v10, v9;
	_ =	sdelay $0x1  }
0x105: {  	v56 =	vmov s19;
	v9 =	vadd.f32 v13, v9  }
0x106: {  	v10 =	vand.u32 $0x7FFFFFFF, v56  }
0x107: {  	v10 =	vadd.s32 v0, v10;
	v9 =	vadd.f32 v16, v9;
	_ =	sdelay $0x1  }
0x108: {  	v9 =	vadd.f32 v18, v9  }
0x109: {  	v57 =	vpop (erf)  }
0x10a: {  	v9 =	vadd.f32 v15, v9;
	[tilespmem:v24+s7+$0x0] =	vst.idx.msk $0xffff, v57  }
0x10b: {  	v58 =	vld.idx.msk [tilespmem:v10+s2+$0x0], $0xffff  }
0x10c: {  	v9 =	vadd.f32 v11, v9  }
0x10d: {  	v59 =	vadd.f32 $0.0e+00, v12  }
0x10e: {  	v7 =	vadd.f32 v7, v9  }
0x10f: {  	v60 =	vadd.f32 v17, v59  }
0x110: {  	v7 =	vadd.f32 v58, v7  }
0x111: {  	v9 =	vadd.f32 v19, v60  }
0x112: {  	v7 =	vmul.f32 $1.000000010e-01, v7  }
0x113: {  	v9 =	vadd.f32 v20, v9;
	v61 =	vmul.f32 $1.442695020e+00, v58  }
0x114: {  	v5 =	vadd.f32 v7, v5  }
0x115: {  	v9 =	vadd.f32 v21, v9;
	(erf) = vpow2.f32 v61;
	v7 =	vmul.f32 $1.442695020e+00, v7  }
0x116: {  	v5 =	vmul.f32 $1.000000010e-01, v5  }
0x117: {  	v9 =	vadd.f32 v22, v9;
	(erf) = vpow2.f32 v7  }
0x118: {  	v5 =	vmul.f32 $1.442695020e+00, v5  }
0x119: {  	s17 =	sadd.s32 $0x1, s17;
	v7 =	vadd.f32 v23, v9  }
0x11a: {  	v62 =	vmov s17;
	(erf) = vpow2.f32 v5;
	v5 =	vmov s16  }
0x11b: {  	v9 =	vand.u32 $0x1FF, v62;
	v7 =	vadd.f32 v25, v7;
	v5 =	vand.u32 $0xF, v5  }
0x11c: {  	v9 =	vadd.s32 v1, v9;
	v5 =	vbroadcast v5, $0x0  }
0x11d: {  	v7 =	vadd.f32 v57, v7  }
0x11e: {  	s16 =	sadd.s32 $0x1, s16;
	v11 =	vpop (erf);
	v5 =	vor.u32 v2, v5  }
0x11f: {  	v6 =	vadd.f32 v8, v6;
	p0 =	sne.s32 s16, $0xA;
	v7 =	vadd.f32 v11, v7  }
.Ltmp1:
0x120: {  	[tilespmem:v10+s7+$0x0] =	vst.idx.msk $0xffff, v11;
	v63 =	vpop (erf);
	(pc) =	sbr.rel @p0 .LBB2_2-.Ltmp1, $4  }
0x121: {  	[tilespmem:v9+s8+$0x0] =	vst.idx.msk $0xffff, v7;
	v6 =	vadd.f32 v63, v6  }
0x122: {  	[tilespmem:v9+s9+$0x0] =	vst.idx.msk $0xffff, v63  }
0x123: {  	s15 =	sadd.s32 $0xA, s15;
	s14 =	sadd.s32 $0x64, s14;
	v7 =	vpop (erf);
	[tilespmem:v5+s10+$0x0] =	vst.idx.msk $0xffff, v6  }
0x124: {  	s18 =	simm.s32 $0x0;
	s19 =	simm.s32 $0x0;
	s17 =	simm.s32 $0x0;
	[tilespmem:v5+s11+$0x0] =	vst.idx.msk $0xffff, v7;
	v3 =	vadd.f32 v7, v3  }
.LBB2_5:
0x125: {  	v4 =	vmov s19  }
0x126: {  	v4 =	vand.u32 $0xF, v4  }
0x127: {  	v4 =	vbroadcast v4, $0x0;
	_ =	sdelay $0x1  }
0x128: {  	v4 =	vor.u32 v2, v4;
	_ =	sdelay $0x3  }
0x129: {  	v5 =	vmov s17  }
0x12a: {  	v5 =	vand.u32 $0x1FF, v5;
	v6 =	vld.idx.msk [tilespmem:v4+s10+$0x0], $0xffff  }
0x12b: {  	v5 =	vadd.s32 v1, v5;
	_ =	sdelay $0x3  }
0x12c: {  	v6 =	vmul.f32 v6, v3  }
0x12d: {  	v7 =	vld.idx.msk [tilespmem:v5+s8+$0x0], $0xffff  }
0x12e: {  	(erf) = vrcp.f32 v6;
	_ =	sdelay $0x2  }
0x12f: {  	s14 =	sadd.s32 $0x0, s18  }
0x130: {  	v6 =	vmov s14;
	(erf) = vrcp.f32 v7  }
0x131: {  	v4 =	vld.idx.msk [tilespmem:v4+s11+$0x0], $0xffff;
	v6 =	vand.u32 $0x1FFE, v6  }
0x132: {  	v6 =	vadd.s32 v0, v6  }
0x133: {  	v5 =	vld.idx.msk [tilespmem:v5+s9+$0x0], $0xffff;
	_ =	sdelay $0x1  }
0x134: {  	v7 =	vpop (erf)  }
0x135: {  	v4 =	vmul.f32 v7, v4  }
0x136: {  	s15 =	sadd.s32 $0x1, s14;
	v7 =	vld.idx.msk [tilespmem:v6+s7+$0x0], $0xffff  }
0x137: {  	v8 =	vmov s15;
	v5 =	vmul.f32 v5, v4  }
0x138: {  	v8 =	vand.u32 $0x7FFFFFFF, v8;
	v9 =	vpop (erf)  }
0x139: {  	v9 =	vmul.f32 v9, v5;
	v5 =	vadd.s32 v0, v8;
	_ =	sdelay $0x1  }
0x13a: {  	v7 =	vmul.f32 v9, v7;
	_ =	sdelay $0x1  }
0x13b: {  	[tilespmem:v6+s12+$0x0] =	vst.idx.msk $0xffff, v7  }
0x13c: {  	s24 =	sadd.s32 $0x2, s14;
	v6 =	vld.idx.msk [tilespmem:v5+s7+$0x0], $0xffff  }
0x13d: {  	v7 =	vmov s24  }
0x13e: {  	v7 =	vand.u32 $0x7FFFFFFE, v7  }
0x13f: {  	v7 =	vadd.s32 v0, v7;
	_ =	sdelay $0x1  }
0x140: {  	v6 =	vmul.f32 v6, v9;
	_ =	sdelay $0x1  }
0x141: {  	[tilespmem:v5+s12+$0x0] =	vst.idx.msk $0xffff, v6  }
0x142: {  	s25 =	sadd.s32 $0x3, s14;
	v5 =	vld.idx.msk [tilespmem:v7+s7+$0x0], $0xffff  }
0x143: {  	v6 =	vmov s25  }
0x144: {  	v6 =	vand.u32 $0x7FFFFFFF, v6  }
0x145: {  	v6 =	vadd.s32 v0, v6;
	_ =	sdelay $0x1  }
0x146: {  	v5 =	vmul.f32 v5, v9;
	_ =	sdelay $0x1  }
0x147: {  	[tilespmem:v7+s12+$0x0] =	vst.idx.msk $0xffff, v5  }
0x148: {  	s26 =	sadd.s32 $0x4, s14;
	v5 =	vld.idx.msk [tilespmem:v6+s7+$0x0], $0xffff  }
0x149: {  	v7 =	vmov s26  }
0x14a: {  	v7 =	vand.u32 $0x7FFFFFFE, v7  }
0x14b: {  	v7 =	vadd.s32 v0, v7;
	_ =	sdelay $0x1  }
0x14c: {  	v5 =	vmul.f32 v5, v9;
	_ =	sdelay $0x1  }
0x14d: {  	[tilespmem:v6+s12+$0x0] =	vst.idx.msk $0xffff, v5  }
0x14e: {  	s28 =	sadd.s32 $0x5, s14;
	v5 =	vld.idx.msk [tilespmem:v7+s7+$0x0], $0xffff  }
0x14f: {  	v6 =	vmov s28  }
0x150: {  	v6 =	vand.u32 $0x7FFFFFFF, v6  }
0x151: {  	v6 =	vadd.s32 v0, v6;
	_ =	sdelay $0x1  }
0x152: {  	v5 =	vmul.f32 v5, v9;
	_ =	sdelay $0x1  }
0x153: {  	[tilespmem:v7+s12+$0x0] =	vst.idx.msk $0xffff, v5  }
0x154: {  	s29 =	sadd.s32 $0x6, s14;
	v5 =	vld.idx.msk [tilespmem:v6+s7+$0x0], $0xffff  }
0x155: {  	v7 =	vmov s29  }
0x156: {  	v7 =	vand.u32 $0x7FFFFFFE, v7  }
0x157: {  	v7 =	vadd.s32 v0, v7;
	_ =	sdelay $0x1  }
0x158: {  	v5 =	vmul.f32 v5, v9;
	_ =	sdelay $0x1  }
0x159: {  	[tilespmem:v6+s12+$0x0] =	vst.idx.msk $0xffff, v5  }
0x15a: {  	s30 =	sadd.s32 $0x7, s14;
	v5 =	vld.idx.msk [tilespmem:v7+s7+$0x0], $0xffff  }
0x15b: {  	v6 =	vmov s30  }
0x15c: {  	v6 =	vand.u32 $0x7FFFFFFF, v6  }
0x15d: {  	v6 =	vadd.s32 v0, v6;
	_ =	sdelay $0x1  }
0x15e: {  	v5 =	vmul.f32 v5, v9;
	_ =	sdelay $0x1  }
0x15f: {  	[tilespmem:v7+s12+$0x0] =	vst.idx.msk $0xffff, v5  }
0x160: {  	s31 =	sadd.s32 $0x8, s14;
	v5 =	vld.idx.msk [tilespmem:v6+s7+$0x0], $0xffff  }
0x161: {  	v7 =	vmov s31  }
0x162: {  	v7 =	vand.u32 $0x7FFFFFFE, v7  }
0x163: {  	v7 =	vadd.s32 v0, v7;
	_ =	sdelay $0x1  }
0x164: {  	v5 =	vmul.f32 v5, v9;
	_ =	sdelay $0x1  }
0x165: {  	[tilespmem:v6+s12+$0x0] =	vst.idx.msk $0xffff, v5  }
0x166: {  	s14 =	sadd.s32 $0x9, s14;
	v5 =	vld.idx.msk [tilespmem:v7+s7+$0x0], $0xffff  }
0x167: {  	v6 =	vmov s14  }
0x168: {  	v6 =	vand.u32 $0x7FFFFFFF, v6  }
0x169: {  	v6 =	vadd.s32 v0, v6;
	_ =	sdelay $0x1  }
0x16a: {  	v5 =	vmul.f32 v5, v9;
	_ =	sdelay $0x1  }
0x16b: {  	[tilespmem:v7+s12+$0x0] =	vst.idx.msk $0xffff, v5  }
0x16c: {  	s14 =	sadd.s32 $0x1, s17;
	v7 =	vld.idx.msk [tilespmem:v6+s7+$0x0], $0xffff  }
0x16d: {  	v5 =	vmov s14  }
0x16e: {  	v5 =	vand.u32 $0x1FF, v5  }
0x16f: {  	v5 =	vadd.s32 v1, v5;
	_ =	sdelay $0x1  }
0x170: {  	s16 =	simm.s32 $0x14;
	s15 =	simm.s32 $0xA;
	v7 =	vmul.f32 v7, v9  }
.LBB2_6:
0x171: {  	_ = 	snop  }
0x172: {  	p0 =	sne.s32 s16, $0x5A;
	s20 =	smov.u32 s16;
	s16 =	sadd.s32 $0xA, s16;
	[tilespmem:v6+s12+$0x0] =	vst.idx.msk $0xffff, v7  }
0x173: {  	v6 =	vld.idx.msk [tilespmem:v5+s8+$0x0], $0xffff;
	_ =	sdelay $0x3  }
0x174: {  	s21 =	sadd.s32 s15, s18;
	s15 =	smov.u32 s20  }
0x175: {  	v7 =	vmov s21;
	s20 =	sadd.s32 $0x1, s21;
	s22 =	sadd.s32 $0x2, s21;
	s23 =	sadd.s32 $0x3, s21  }
0x176: {  	s24 =	sadd.s32 $0x5, s21;
	s25 =	sadd.s32 $0x6, s21;
	v7 =	vand.u32 $0x1FFE, v7;
	v8 =	vmov s20;
	s20 =	sadd.s32 $0x4, s21;
	(erf) = vrcp.f32 v6  }
0x177: {  	s26 =	sadd.s32 $0x8, s21;
	v6 =	vadd.s32 v0, v7;
	v7 =	vand.u32 $0x7FFFFFFF, v8;
	v8 =	vmov s22;
	s22 =	sadd.s32 $0x7, s21;
	s21 =	sadd.s32 $0x9, s21  }
0x178: {  	v9 =	vmov s23;
	v10 =	vmov s20;
	v8 =	vand.u32 $0x7FFFFFFE, v8;
	v5 =	vld.idx.msk [tilespmem:v5+s9+$0x0], $0xffff  }
0x179: {  	v11 =	vmov s24;
	v9 =	vand.u32 $0x7FFFFFFF, v9;
	v10 =	vand.u32 $0x7FFFFFFE, v10  }
0x17a: {  	v12 =	vmov s25;
	v11 =	vand.u32 $0x7FFFFFFF, v11;
	v13 =	vmov s22  }
0x17b: {  	v14 =	vmov s26;
	v12 =	vand.u32 $0x7FFFFFFE, v12;
	v13 =	vand.u32 $0x7FFFFFFF, v13  }
0x17c: {  	v14 =	vand.u32 $0x7FFFFFFE, v14;
	v16 =	vmov s21;
	v15 =	vld.idx.msk [tilespmem:v6+s7+$0x0], $0xffff  }
0x17d: {  	v16 =	vand.u32 $0x7FFFFFFF, v16  }
0x17e: {  	v5 =	vmul.f32 v5, v4  }
0x17f: {  	v17 =	vpop (erf)  }
0x180: {  	v17 =	vmul.f32 v17, v5;
	v5 =	vadd.s32 v0, v7;
	_ =	sdelay $0x1  }
0x181: {  	v7 =	vmul.f32 v17, v15;
	_ =	sdelay $0x1  }
0x182: {  	[tilespmem:v6+s12+$0x0] =	vst.idx.msk $0xffff, v7  }
0x183: {  	v6 =	vld.idx.msk [tilespmem:v5+s7+$0x0], $0xffff;
	_ =	sdelay $0x3  }
0x184: {  	v7 =	vadd.s32 v0, v8;
	_ =	sdelay $0x1  }
0x185: {  	v6 =	vmul.f32 v6, v17;
	_ =	sdelay $0x1  }
0x186: {  	[tilespmem:v5+s12+$0x0] =	vst.idx.msk $0xffff, v6  }
0x187: {  	v5 =	vld.idx.msk [tilespmem:v7+s7+$0x0], $0xffff;
	_ =	sdelay $0x3  }
0x188: {  	v6 =	vadd.s32 v0, v9;
	_ =	sdelay $0x1  }
0x189: {  	v5 =	vmul.f32 v5, v17;
	_ =	sdelay $0x1  }
0x18a: {  	[tilespmem:v7+s12+$0x0] =	vst.idx.msk $0xffff, v5  }
0x18b: {  	v5 =	vld.idx.msk [tilespmem:v6+s7+$0x0], $0xffff;
	_ =	sdelay $0x3  }
0x18c: {  	v7 =	vadd.s32 v0, v10;
	_ =	sdelay $0x1  }
0x18d: {  	v5 =	vmul.f32 v5, v17;
	_ =	sdelay $0x1  }
0x18e: {  	[tilespmem:v6+s12+$0x0] =	vst.idx.msk $0xffff, v5  }
0x18f: {  	v5 =	vld.idx.msk [tilespmem:v7+s7+$0x0], $0xffff;
	_ =	sdelay $0x3  }
0x190: {  	v6 =	vadd.s32 v0, v11;
	_ =	sdelay $0x1  }
0x191: {  	v5 =	vmul.f32 v5, v17;
	_ =	sdelay $0x1  }
0x192: {  	[tilespmem:v7+s12+$0x0] =	vst.idx.msk $0xffff, v5  }
0x193: {  	v5 =	vld.idx.msk [tilespmem:v6+s7+$0x0], $0xffff;
	_ =	sdelay $0x3  }
0x194: {  	v7 =	vadd.s32 v0, v12;
	_ =	sdelay $0x1  }
0x195: {  	v5 =	vmul.f32 v5, v17;
	_ =	sdelay $0x1  }
0x196: {  	[tilespmem:v6+s12+$0x0] =	vst.idx.msk $0xffff, v5  }
0x197: {  	v5 =	vld.idx.msk [tilespmem:v7+s7+$0x0], $0xffff;
	_ =	sdelay $0x3  }
0x198: {  	v6 =	vadd.s32 v0, v13;
	_ =	sdelay $0x1  }
0x199: {  	v5 =	vmul.f32 v5, v17;
	_ =	sdelay $0x1  }
0x19a: {  	[tilespmem:v7+s12+$0x0] =	vst.idx.msk $0xffff, v5  }
0x19b: {  	v5 =	vld.idx.msk [tilespmem:v6+s7+$0x0], $0xffff;
	_ =	sdelay $0x3  }
0x19c: {  	v7 =	vadd.s32 v0, v14;
	_ =	sdelay $0x1  }
0x19d: {  	v5 =	vmul.f32 v5, v17;
	_ =	sdelay $0x1  }
0x19e: {  	[tilespmem:v6+s12+$0x0] =	vst.idx.msk $0xffff, v5  }
0x19f: {  	v5 =	vld.idx.msk [tilespmem:v7+s7+$0x0], $0xffff;
	_ =	sdelay $0x3  }
0x1a0: {  	v6 =	vadd.s32 v0, v16;
	_ =	sdelay $0x1  }
0x1a1: {  	v5 =	vmul.f32 v5, v17;
	_ =	sdelay $0x1  }
0x1a2: {  	[tilespmem:v7+s12+$0x0] =	vst.idx.msk $0xffff, v5  }
0x1a3: {  	v7 =	vld.idx.msk [tilespmem:v6+s7+$0x0], $0xffff  }
0x1a4: {  	s14 =	sadd.s32 $0x1, s14  }
.Ltmp2:
0x1a5: {  	v5 =	vmov s14;
	(pc) =	sbr.rel @p0 .LBB2_6-.Ltmp2, $3  }
0x1a6: {  	v5 =	vand.u32 $0x1FF, v5  }
0x1a7: {  	v5 =	vadd.s32 v1, v5;
	_ =	sdelay $0x1  }
0x1a8: {  	v7 =	vmul.f32 v7, v17  }
0x1a9: {  	_ =	sdelay $0x3  }
0x1aa: {  	[tilespmem:v6+s12+$0x0] =	vst.idx.msk $0xffff, v7  }
0x1ab: {  	v6 =	vld.idx.msk [tilespmem:v5+s8+$0x0], $0xffff;
	_ =	sdelay $0x3  }
0x1ac: {  	s14 =	sadd.s32 s15, s18  }
0x1ad: {  	v52 =	vmov s14;
	(erf) = vrcp.f32 v6  }
0x1ae: {  	v53 =	vand.u32 $0x1FFE, v52  }
0x1af: {  	v6 =	vadd.s32 v0, v53  }
0x1b0: {  	v5 =	vld.idx.msk [tilespmem:v5+s9+$0x0], $0xffff;
	_ =	sdelay $0x3  }
0x1b1: {  	s15 =	sadd.s32 $0x1, s14;
	v54 =	vld.idx.msk [tilespmem:v6+s7+$0x0], $0xffff  }
0x1b2: {  	v8 =	vmov s15;
	v4 =	vmul.f32 v5, v4  }
0x1b3: {  	v5 =	vand.u32 $0x7FFFFFFF, v8;
	v55 =	vpop (erf)  }
0x1b4: {  	v5 =	vadd.s32 v0, v5;
	v4 =	vmul.f32 v55, v4;
	_ =	sdelay $0x1  }
0x1b5: {  	v7 =	vmul.f32 v4, v54;
	_ =	sdelay $0x1  }
0x1b6: {  	[tilespmem:v6+s12+$0x0] =	vst.idx.msk $0xffff, v7  }
0x1b7: {  	s24 =	sadd.s32 $0x2, s14;
	v6 =	vld.idx.msk [tilespmem:v5+s7+$0x0], $0xffff  }
0x1b8: {  	v56 =	vmov s24  }
0x1b9: {  	v7 =	vand.u32 $0x7FFFFFFE, v56  }
0x1ba: {  	v7 =	vadd.s32 v0, v7;
	_ =	sdelay $0x1  }
0x1bb: {  	v6 =	vmul.f32 v6, v4;
	_ =	sdelay $0x1  }
0x1bc: {  	[tilespmem:v5+s12+$0x0] =	vst.idx.msk $0xffff, v6  }
0x1bd: {  	s25 =	sadd.s32 $0x3, s14;
	v5 =	vld.idx.msk [tilespmem:v7+s7+$0x0], $0xffff  }
0x1be: {  	v57 =	vmov s25  }
0x1bf: {  	v6 =	vand.u32 $0x7FFFFFFF, v57  }
0x1c0: {  	v6 =	vadd.s32 v0, v6;
	_ =	sdelay $0x1  }
0x1c1: {  	v5 =	vmul.f32 v5, v4;
	_ =	sdelay $0x1  }
0x1c2: {  	[tilespmem:v7+s12+$0x0] =	vst.idx.msk $0xffff, v5  }
0x1c3: {  	s26 =	sadd.s32 $0x4, s14;
	v5 =	vld.idx.msk [tilespmem:v6+s7+$0x0], $0xffff  }
0x1c4: {  	v58 =	vmov s26  }
0x1c5: {  	v7 =	vand.u32 $0x7FFFFFFE, v58  }
0x1c6: {  	v7 =	vadd.s32 v0, v7;
	_ =	sdelay $0x1  }
0x1c7: {  	v5 =	vmul.f32 v5, v4;
	_ =	sdelay $0x1  }
0x1c8: {  	[tilespmem:v6+s12+$0x0] =	vst.idx.msk $0xffff, v5  }
0x1c9: {  	s28 =	sadd.s32 $0x5, s14;
	v5 =	vld.idx.msk [tilespmem:v7+s7+$0x0], $0xffff  }
0x1ca: {  	v59 =	vmov s28  }
0x1cb: {  	v6 =	vand.u32 $0x7FFFFFFF, v59  }
0x1cc: {  	v6 =	vadd.s32 v0, v6;
	_ =	sdelay $0x1  }
0x1cd: {  	v5 =	vmul.f32 v5, v4;
	_ =	sdelay $0x1  }
0x1ce: {  	[tilespmem:v7+s12+$0x0] =	vst.idx.msk $0xffff, v5  }
0x1cf: {  	s29 =	sadd.s32 $0x6, s14;
	v5 =	vld.idx.msk [tilespmem:v6+s7+$0x0], $0xffff  }
0x1d0: {  	v60 =	vmov s29  }
0x1d1: {  	v7 =	vand.u32 $0x7FFFFFFE, v60  }
0x1d2: {  	v7 =	vadd.s32 v0, v7;
	_ =	sdelay $0x1  }
0x1d3: {  	v5 =	vmul.f32 v5, v4;
	_ =	sdelay $0x1  }
0x1d4: {  	[tilespmem:v6+s12+$0x0] =	vst.idx.msk $0xffff, v5  }
0x1d5: {  	s30 =	sadd.s32 $0x7, s14;
	v5 =	vld.idx.msk [tilespmem:v7+s7+$0x0], $0xffff  }
0x1d6: {  	v61 =	vmov s30  }
0x1d7: {  	v6 =	vand.u32 $0x7FFFFFFF, v61  }
0x1d8: {  	v6 =	vadd.s32 v0, v6;
	_ =	sdelay $0x1  }
0x1d9: {  	v5 =	vmul.f32 v5, v4;
	_ =	sdelay $0x1  }
0x1da: {  	[tilespmem:v7+s12+$0x0] =	vst.idx.msk $0xffff, v5  }
0x1db: {  	s31 =	sadd.s32 $0x8, s14;
	v5 =	vld.idx.msk [tilespmem:v6+s7+$0x0], $0xffff  }
0x1dc: {  	v62 =	vmov s31  }
0x1dd: {  	v7 =	vand.u32 $0x7FFFFFFE, v62  }
0x1de: {  	v7 =	vadd.s32 v0, v7;
	_ =	sdelay $0x1  }
0x1df: {  	v5 =	vmul.f32 v5, v4;
	_ =	sdelay $0x1  }
0x1e0: {  	[tilespmem:v6+s12+$0x0] =	vst.idx.msk $0xffff, v5  }
0x1e1: {  	s14 =	sadd.s32 $0x9, s14;
	v5 =	vld.idx.msk [tilespmem:v7+s7+$0x0], $0xffff  }
0x1e2: {  	v63 =	vmov s14  }
0x1e3: {  	v6 =	vand.u32 $0x7FFFFFFF, v63  }
0x1e4: {  	v6 =	vadd.s32 v0, v6;
	_ =	sdelay $0x1  }
0x1e5: {  	v5 =	vmul.f32 v5, v4;
	_ =	sdelay $0x1  }
0x1e6: {  	[tilespmem:v7+s12+$0x0] =	vst.idx.msk $0xffff, v5  }
0x1e7: {  	v5 =	vld.idx.msk [tilespmem:v6+s7+$0x0], $0xffff  }
0x1e8: {  	s19 =	sadd.s32 $0x1, s19  }
0x1e9: {  	p0 =	sne.s32 s19, $0xA  }
.Ltmp3:
0x1ea: {  	_ = 	snop;
	(pc) =	sbr.rel @p0 .LBB2_5-.Ltmp3, $3  }
0x1eb: {  	_ = 	snop  }
0x1ec: {  	v4 =	vmul.f32 v5, v4;
	_ =	sdelay $0x1  }
0x1ed: {  	s18 =	sadd.s32 $0x64, s18;
	s17 =	sadd.s32 $0xA, s17;
	[tilespmem:v6+s12+$0x0] =	vst.idx.msk $0xffff, v4  }
0x1ee: {  	s13 =	sadd.s32 $0x1, s13  }
0x1ef: {  	p0 =	sne.s32 s13, s5  }
.Ltmp4:
0x1f0: {  	_ = 	snop;
	(pc) =	sbr.rel @p0 .LBB2_1-.Ltmp4, $4  }
0x1f1: {  	[hbm4b:s4+s2] =	stream.linear.scatter [tilespmem:s12], [sflag:$0x1], $0x3E80, $0x38;
	[tilespmem:$0xCA80] =	vst v63  }
0x1f2: {  	_ =	swait.ge [sflag:s6], $0x3E80  }
0x1f3: {  	[sflag:s6] =	ssyncset.done $0x0  }
0x1f4: {  	[sflag:s6] =	ssyncadd.s32 $0xFFFFC180  }
0x1f5: {  	_ =	sfence.sel $0x180000  }
0x1f6: {  	[bflag:$0x0] =	sbarrier.arrive $0xFFFF  }
0x1f7: {  	p0 =	sne.s32 s0, $0x0;
	_ =	strace $0x90000047  }
0x1f8: {  	s0 =	sadd.s32 @!p0 $0x100000, s1;
	[bflag:$0x2] =	sbarrier.arrive $0xFFFF  }
0x1f9: {  	[sflag:s0] =	ssyncadd.tile.s32 @!p0 $0x1;
	_ =	shalt  }
.Lfunc_end2:
_tile_overlayer_lowered:
.L_overlay_start_2:
0x1fa: {  	(tag) =	ssettag $0x2  }
0x1fb: {  	s0 =	rddreg [dreg:$0x0];
	s2 =	stileid.u32  }
0x1fc: {  	s1 =	rddreg [dreg:$0x1];
	p0 =	sne.s32 s2, $0x0  }
0x1fd: {  	s3 =	rddreg [dreg:$0x2];
	[bflag:$0x3] =	sbarrier.arrive $0xFFFF;
	s2 =	simm.s32 @!p0 $0x1C01  }
0x1fe: {  	[timem:s3], [sflag:s2] =	dma.local @!p0 [hbm:s0], s1  }
0x1ff: {  	s0 =	simm.s32 @!p0 $0x1  }
0x200: {  	_ =	swait.ge @!p0 [sflag:s0], s1  }
0x201: {  	s1 =	ssub.s32 @!p0 $0x0, s1;
	[sflag:s0] =	ssyncset.done @!p0 $0x0  }
0x202: {  	[sflag:s0] =	ssyncadd.s32 @!p0 s1  }
0x203: {  	[bflag:$0x3] =	sbarrier.arrive $0xFFFF  }
0x204: {  	_ =	shalt  }

</sc_bundles>
